<compile_context>
chip_gen: v7x
topology: tpu7x:2x2x1
jax: 0.10.2.dev20260603
libtpu: 0.0.44.dev20260713+nightly
codegen_flags: <defaults>
</compile_context>

<pallas_src>
import functools

import jax
import jax.numpy as jnp
from jax import lax
from jax.experimental import pallas as pl
from jax.experimental.pallas import tpu as pltpu
from jax.experimental.pallas import tpu_sc as plsc

VOCAB = 100000
EMB = 64
BATCH = 1024
CTX = 50

_NC = 2
_NS = 16
_NW = _NC * _NS
_RPW = BATCH // _NW
_INV_CTX = 1.0 / CTX
_CH = 8
_NCHUNK = _RPW // _CH


def _pool_body(ctx_hbm, table_hbm, out_hbm, idx_v, rows_v, pooled_v, sem):
    wid = lax.axis_index("s") * _NC + lax.axis_index("c")
    base = wid * _RPW
    pltpu.sync_copy(ctx_hbm.at[pl.ds(base, _RPW)], idx_v)

    def fire(i, _):
        buf = lax.rem(lax.div(i, _CH), 2)
        pltpu.make_async_copy(
            table_hbm.at[idx_v.at[i]], rows_v.at[buf, lax.rem(i, _CH)], sem
        ).start()
        return 0

    def drain(i, _):
        buf = lax.rem(lax.div(i, _CH), 2)
        pltpu.make_async_copy(
            table_hbm.at[idx_v.at[i]], rows_v.at[buf, lax.rem(i, _CH)], sem
        ).wait()
        return 0

    def row(i, _):
        buf = lax.rem(lax.div(i, _CH), 2)
        r = lax.rem(i, _CH)

        def acc_step(j, carry):
            a0, a1, a2, a3 = carry
            return (a0 + rows_v[buf, r, j, pl.ds(0, 16)],
                    a1 + rows_v[buf, r, j, pl.ds(16, 16)],
                    a2 + rows_v[buf, r, j, pl.ds(32, 16)],
                    a3 + rows_v[buf, r, j, pl.ds(48, 16)])

        z = jnp.zeros((16,), jnp.float32)
        a0, a1, a2, a3 = lax.fori_loop(0, CTX, acc_step, (z, z, z, z))
        s = jnp.float32(_INV_CTX)
        pooled_v[i, pl.ds(0, 16)] = a0 * s
        pooled_v[i, pl.ds(16, 16)] = a1 * s
        pooled_v[i, pl.ds(32, 16)] = a2 * s
        pooled_v[i, pl.ds(48, 16)] = a3 * s
        return 0

    lax.fori_loop(0, _CH, fire, 0)
    for c in range(_NCHUNK):
        if c + 1 < _NCHUNK:
            lax.fori_loop((c + 1) * _CH, (c + 2) * _CH, fire, 0)
        lax.fori_loop(c * _CH, (c + 1) * _CH, drain, 0)
        lax.fori_loop(c * _CH, (c + 1) * _CH, row, 0)

    pltpu.sync_copy(pooled_v, out_hbm.at[pl.ds(base, _RPW)])


_pool = functools.partial(
    pl.kernel,
    out_type=jax.ShapeDtypeStruct((BATCH, EMB), jnp.float32),
    mesh=plsc.VectorSubcoreMesh(core_axis_name="c", subcore_axis_name="s"),
    scratch_types=[
        pltpu.VMEM((_RPW, CTX), jnp.int32),
        pltpu.VMEM((2, _CH, CTX, 128), jnp.float32),
        pltpu.VMEM((_RPW, EMB), jnp.float32),
        pltpu.SemaphoreType.DMA,
    ],
    compiler_params=pltpu.CompilerParams(use_tc_tiling_on_sc=True),
)(_pool_body)


_RB = 4096
_RSTEPS = pl.cdiv(VOCAB, _RB)


def _repack_body(et_ref, tp_ref):
    eye = jnp.float32(1.0) * (
        jax.lax.broadcasted_iota(jnp.int32, (EMB, EMB), 0)
        == jax.lax.broadcasted_iota(jnp.int32, (EMB, EMB), 1)
    )
    rows = jax.lax.dot_general(
        et_ref[...], eye,
        dimension_numbers=(((0,), (0,)), ((), ())),
        preferred_element_type=jnp.float32,
    )
    tp_ref[:, 0:EMB] = rows


def _repack(embT):
    return pl.pallas_call(
        _repack_body,
        grid=(_RSTEPS,),
        in_specs=[pl.BlockSpec((EMB, _RB), lambda i: (0, i))],
        out_specs=pl.BlockSpec((_RB, 128), lambda i: (i, 0)),
        out_shape=jax.ShapeDtypeStruct((VOCAB, 128), jnp.float32),
    )(embT)


_VB = 2048
_NSTEPS = pl.cdiv(VOCAB, _VB)


def _mm_body(p_ref, w_ref, b_ref, ot_ref):
    w_aug = jnp.concatenate([w_ref[...], b_ref[...]], axis=0)
    ones = jnp.ones((BATCH, 1), jnp.float32)
    p_aug = jnp.concatenate([p_ref[...], ones], axis=1)
    ot_ref[...] = jax.lax.dot_general(
        w_aug, p_aug,
        dimension_numbers=(((0,), (1,)), ((), ())),
        preferred_element_type=jnp.float32,
    )


def _project(pooled, W, brow):
    return pl.pallas_call(
        _mm_body,
        grid=(_NSTEPS,),
        in_specs=[
            pl.BlockSpec((BATCH, EMB), lambda i: (0, 0)),
            pl.BlockSpec((EMB, _VB), lambda i: (0, i)),
            pl.BlockSpec((1, _VB), lambda i: (0, i)),
        ],
        out_specs=pl.BlockSpec((_VB, BATCH), lambda i: (i, 0)),
        out_shape=jax.ShapeDtypeStruct((VOCAB, BATCH), jnp.float32),
        compiler_params=pltpu.CompilerParams(vmem_limit_bytes=110 * 1024 * 1024),
    )(pooled, W, brow)


def kernel(context, emb_table, W, b):
    ctx = context.astype(jnp.int32)
    table_pad = _repack(emb_table.T)
    pooled = _pool(ctx, table_pad)
    return _project(pooled, W, b.reshape(1, VOCAB)).T

# --- scband reference (transcript-rebuilt; emitter-appended) ---
"""Pipeline reference for scband-word2-vec-cbow-23948737643149 (READ-ONLY COPY).

The authoritative reference and input builder live on the scoring server;
editing this copy changes nothing except your own understanding.
"""

import jax, jax.numpy as jnp
import numpy as np

VOCAB = 100000
EMB = 64
BATCH = 1024
CTX = 50

def setup_inputs(seed: int = 0) -> dict:
    key = jax.random.key(seed)
    k1, k2, k3, k4 = jax.random.split(key, 4)
    context = jax.random.randint(k1, (BATCH, CTX), 0, VOCAB, dtype=jnp.int64 if jax.config.jax_enable_x64 else jnp.int32)
    emb_table = jax.random.normal(k2, (VOCAB, EMB), dtype=jnp.float32) * 0.02
    W = jax.random.normal(k3, (EMB, VOCAB), dtype=jnp.float32) * (1.0 / np.sqrt(EMB))
    b = jnp.zeros((VOCAB,), dtype=jnp.float32)
    return {"context": context, "emb_table": emb_table, "W": W, "b": b}

def reference(context, emb_table, W, b):
    # embedding lookup (gather) -> SparseCore-friendly
    embedded = jnp.take(emb_table, context, axis=0)   # [B, CTX, EMB]
    embedded = jnp.mean(embedded, axis=1)             # [B, EMB]
    out = embedded @ W + b                            # [B, VOCAB]
    return out

if __name__ == "__main__":
    import jax
    _d = setup_inputs()
    print(jax.jit(kernel)(*tuple(_d.values())))

</pallas_src>

<mosaic_0001>
#map = affine_map<(d0, d1) -> (0, 0)>
module attributes {stable_mosaic.version = 14 : i64} {
  func.func @_pool_body(%arg0: i32, %arg1: i32, %arg2: memref<1024x50xi32, #tpu.memory_space<hbm>>, %arg3: memref<100000x128xf32, #tpu.memory_space<hbm>>, %arg4: memref<1024x64xf32, #tpu.memory_space<hbm>>, %arg5: memref<32x50xi32, #tpu.memory_space<vmem>>, %arg6: memref<2x8x50x128xf32, #tpu.memory_space<vmem>>, %arg7: memref<32x64xf32, #tpu.memory_space<vmem>>, %arg8: memref<!tpu.dma_semaphore, #tpu.memory_space<semaphore_mem>>) attributes {dimension_semantics = [#tpu.dimension_semantics<core_parallel>, #tpu.dimension_semantics<subcore_parallel>], iteration_bounds = array<i64: 2, 16>, scalar_prefetch = 0 : i64, scratch_operands = 4 : i64, tpu.core_type = #tpu.core_type<sc_vector_subcore>, window_params = [{transform_indices = #map}, {transform_indices = #map}, {transform_indices = #map}]} {
    %mul3A = arith.constant 2 : i32
    %mul3A_0 = arith.muli %arg1, %mul3A : i32
    %add3A = arith.addi %mul3A_0, %arg0 : i32
    %mul3A_1 = arith.constant 32 : i32
    %mul3A_2 = arith.muli %add3A, %mul3A_1 : i32
    "tpu.region"() ({
      %run_scoped3A = tpu.sem_alloc : memref<!tpu.dma_semaphore, #tpu.memory_space<semaphore_mem>>
      %dma_start3A = arith.constant 0 : i32
      %dma_start3A_86 = tpu.memref_slice %arg2[%mul3A_2, %dma_start3A] : memref<1024x50xi32, #tpu.memory_space<hbm>> -> memref<32x50xi32, #tpu.memory_space<hbm>>
      %dma_start3A_87 = arith.constant 0 : i32
      %dma_start3A_88 = tpu.memref_slice %arg2[%mul3A_2, %dma_start3A_87] : memref<1024x50xi32, #tpu.memory_space<hbm>> -> memref<32x50xi32, #tpu.memory_space<hbm>>
      tpu.enqueue_dma source(%dma_start3A_88 : memref<32x50xi32, #tpu.memory_space<hbm>>) target(%arg5 : memref<32x50xi32, #tpu.memory_space<vmem>>) target_semaphore(%run_scoped3A : memref<!tpu.dma_semaphore, #tpu.memory_space<semaphore_mem>>)
      %dma_wait3A = arith.constant 0 : i32
      %dma_wait3A_89 = tpu.memref_slice %arg2[%mul3A_2, %dma_wait3A] : memref<1024x50xi32, #tpu.memory_space<hbm>> -> memref<32x50xi32, #tpu.memory_space<hbm>>
      %dma_wait3A_90 = arith.constant 0 : i32
      %dma_wait3A_91 = tpu.memref_slice %arg2[%mul3A_2, %dma_wait3A_90] : memref<1024x50xi32, #tpu.memory_space<hbm>> -> memref<32x50xi32, #tpu.memory_space<hbm>>
      tpu.wait_dma2 semaphore(%run_scoped3A : memref<!tpu.dma_semaphore, #tpu.memory_space<semaphore_mem>>) src(%dma_wait3A_91 : memref<32x50xi32, #tpu.memory_space<hbm>>) dst(%arg5 : memref<32x50xi32, #tpu.memory_space<vmem>>)
      tpu.yield
    }) : () -> ()
    %scan3A = arith.constant 0 : i32
    %scan3A_3 = arith.constant 0 : i32
    %scan3A_4 = arith.constant 8 : i32
    %scan3A_5 = arith.addi %scan3A_3, %scan3A_4 : i32
    %scan3A_6 = arith.constant 1 : i32
    %scan3A_7 = scf.for %scan3A_86 = %scan3A_3 to %scan3A_5 step %scan3A_6 iter_args(%scan3A_87 = %scan3A) -> (i32)  : i32 {
      %div3A = arith.constant 8 : i32
      %div3A_88 = arith.divsi %scan3A_86, %div3A : i32
      %rem3A = arith.constant 2 : i32
      %rem3A_89 = arith.remsi %div3A_88, %rem3A : i32
      %rem3A_90 = arith.constant 8 : i32
      %rem3A_91 = arith.remsi %scan3A_86, %rem3A_90 : i32
      %dma_start3A = arith.constant 0 : i32
      %dma_start3A_92 = arith.constant 0 : i32
      %dma_start3A_93 = tpu.memref_slice %arg6[%rem3A_89, %rem3A_91, %dma_start3A, %dma_start3A_92] : memref<2x8x50x128xf32, #tpu.memory_space<vmem>> -> memref<1x1x50x128xf32, #tpu.memory_space<vmem>>
      %dma_start3A_94 = tpu.memref_squeeze %dma_start3A_93 : memref<1x1x50x128xf32, #tpu.memory_space<vmem>> -> memref<50x128xf32, #tpu.memory_space<vmem>>
      %dma_start3A_95 = arith.constant 0 : i32
      %dma_start3A_96 = tpu.memref_slice %arg5[%scan3A_86, %dma_start3A_95] : memref<32x50xi32, #tpu.memory_space<vmem>> -> memref<1x50xi32, #tpu.memory_space<vmem>>
      %dma_start3A_97 = tpu.memref_squeeze %dma_start3A_96 : memref<1x50xi32, #tpu.memory_space<vmem>> -> memref<50xi32, #tpu.memory_space<vmem>>
      %dma_start3A_98 = arith.constant 0 : i32
      %dma_start3A_99 = arith.constant 0 : i32
      %dma_start3A_100 = tpu.memref_slice %arg3[%dma_start3A_98, %dma_start3A_99] : memref<100000x128xf32, #tpu.memory_space<hbm>> -> memref<100000x128xf32, #tpu.memory_space<hbm>>
      tpu.enqueue_indirect_dma source(%dma_start3A_100 : memref<100000x128xf32, #tpu.memory_space<hbm>>) target(%dma_start3A_94 : memref<50x128xf32, #tpu.memory_space<vmem>>) offsets(%dma_start3A_97 : memref<50xi32, #tpu.memory_space<vmem>>) semaphore(%arg8 : memref<!tpu.dma_semaphore, #tpu.memory_space<semaphore_mem>>)
      %scan3A_101 = arith.constant 0 : i32
      scf.yield %scan3A_101 : i32
    }
    %scan3A_8 = arith.constant 8 : i32
    %scan3A_9 = arith.constant 0 : i32
    %scan3A_10 = arith.constant 8 : i32
    %scan3A_11 = arith.constant 8 : i32
    %scan3A_12 = arith.addi %scan3A_10, %scan3A_11 : i32
    %scan3A_13 = arith.constant 1 : i32
    %scan3A_14 = scf.for %scan3A_86 = %scan3A_10 to %scan3A_12 step %scan3A_13 iter_args(%scan3A_87 = %scan3A_9) -> (i32)  : i32 {
      %div3A = arith.constant 8 : i32
      %div3A_88 = arith.divsi %scan3A_86, %div3A : i32
      %rem3A = arith.constant 2 : i32
      %rem3A_89 = arith.remsi %div3A_88, %rem3A : i32
      %rem3A_90 = arith.constant 8 : i32
      %rem3A_91 = arith.remsi %scan3A_86, %rem3A_90 : i32
      %dma_start3A = arith.constant 0 : i32
      %dma_start3A_92 = arith.constant 0 : i32
      %dma_start3A_93 = tpu.memref_slice %arg6[%rem3A_89, %rem3A_91, %dma_start3A, %dma_start3A_92] : memref<2x8x50x128xf32, #tpu.memory_space<vmem>> -> memref<1x1x50x128xf32, #tpu.memory_space<vmem>>
      %dma_start3A_94 = tpu.memref_squeeze %dma_start3A_93 : memref<1x1x50x128xf32, #tpu.memory_space<vmem>> -> memref<50x128xf32, #tpu.memory_space<vmem>>
      %dma_start3A_95 = arith.constant 0 : i32
      %dma_start3A_96 = tpu.memref_slice %arg5[%scan3A_86, %dma_start3A_95] : memref<32x50xi32, #tpu.memory_space<vmem>> -> memref<1x50xi32, #tpu.memory_space<vmem>>
      %dma_start3A_97 = tpu.memref_squeeze %dma_start3A_96 : memref<1x50xi32, #tpu.memory_space<vmem>> -> memref<50xi32, #tpu.memory_space<vmem>>
      %dma_start3A_98 = arith.constant 0 : i32
      %dma_start3A_99 = arith.constant 0 : i32
      %dma_start3A_100 = tpu.memref_slice %arg3[%dma_start3A_98, %dma_start3A_99] : memref<100000x128xf32, #tpu.memory_space<hbm>> -> memref<100000x128xf32, #tpu.memory_space<hbm>>
      tpu.enqueue_indirect_dma source(%dma_start3A_100 : memref<100000x128xf32, #tpu.memory_space<hbm>>) target(%dma_start3A_94 : memref<50x128xf32, #tpu.memory_space<vmem>>) offsets(%dma_start3A_97 : memref<50xi32, #tpu.memory_space<vmem>>) semaphore(%arg8 : memref<!tpu.dma_semaphore, #tpu.memory_space<semaphore_mem>>)
      %scan3A_101 = arith.constant 0 : i32
      scf.yield %scan3A_101 : i32
    }
    %scan3A_15 = arith.constant 8 : i32
    %scan3A_16 = arith.constant 0 : i32
    %scan3A_17 = arith.constant 0 : i32
    %scan3A_18 = arith.constant 8 : i32
    %scan3A_19 = arith.addi %scan3A_17, %scan3A_18 : i32
    %scan3A_20 = arith.constant 1 : i32
    %scan3A_21 = scf.for %scan3A_86 = %scan3A_17 to %scan3A_19 step %scan3A_20 iter_args(%scan3A_87 = %scan3A_16) -> (i32)  : i32 {
      %div3A = arith.constant 8 : i32
      %div3A_88 = arith.divsi %scan3A_86, %div3A : i32
      %rem3A = arith.constant 2 : i32
      %rem3A_89 = arith.remsi %div3A_88, %rem3A : i32
      %rem3A_90 = arith.constant 8 : i32
      %rem3A_91 = arith.remsi %scan3A_86, %rem3A_90 : i32
      %dma_wait3A = arith.constant 0 : i32
      %dma_wait3A_92 = arith.constant 0 : i32
      %dma_wait3A_93 = tpu.memref_slice %arg6[%rem3A_89, %rem3A_91, %dma_wait3A, %dma_wait3A_92] : memref<2x8x50x128xf32, #tpu.memory_space<vmem>> -> memref<1x1x50x128xf32, #tpu.memory_space<vmem>>
      %dma_wait3A_94 = tpu.memref_squeeze %dma_wait3A_93 : memref<1x1x50x128xf32, #tpu.memory_space<vmem>> -> memref<50x128xf32, #tpu.memory_space<vmem>>
      %dma_wait3A_95 = arith.constant 0 : i32
      %dma_wait3A_96 = tpu.memref_slice %arg5[%scan3A_86, %dma_wait3A_95] : memref<32x50xi32, #tpu.memory_space<vmem>> -> memref<1x50xi32, #tpu.memory_space<vmem>>
      %dma_wait3A_97 = tpu.memref_squeeze %dma_wait3A_96 : memref<1x50xi32, #tpu.memory_space<vmem>> -> memref<50xi32, #tpu.memory_space<vmem>>
      %dma_wait3A_98 = arith.constant 0 : i32
      %dma_wait3A_99 = arith.constant 0 : i32
      %dma_wait3A_100 = tpu.memref_slice %arg3[%dma_wait3A_98, %dma_wait3A_99] : memref<100000x128xf32, #tpu.memory_space<hbm>> -> memref<100000x128xf32, #tpu.memory_space<hbm>>
      tpu.wait_indirect_dma semaphore(%arg8 : memref<!tpu.dma_semaphore, #tpu.memory_space<semaphore_mem>>) src(%dma_wait3A_100 : memref<100000x128xf32, #tpu.memory_space<hbm>>) dst(%dma_wait3A_94 : memref<50x128xf32, #tpu.memory_space<vmem>>)
      %scan3A_101 = arith.constant 0 : i32
      scf.yield %scan3A_101 : i32
    }
    %scan3A_22 = arith.constant 8 : i32
    %scan3A_23 = arith.constant 0 : i32
    %scan3A_24 = arith.constant 0 : i32
    %scan3A_25 = arith.constant 8 : i32
    %scan3A_26 = arith.addi %scan3A_24, %scan3A_25 : i32
    %scan3A_27 = arith.constant 1 : i32
    %scan3A_28 = scf.for %scan3A_86 = %scan3A_24 to %scan3A_26 step %scan3A_27 iter_args(%scan3A_87 = %scan3A_23) -> (i32)  : i32 {
      %div3A = arith.constant 8 : i32
      %div3A_88 = arith.divsi %scan3A_86, %div3A : i32
      %rem3A = arith.constant 2 : i32
      %rem3A_89 = arith.remsi %div3A_88, %rem3A : i32
      %rem3A_90 = arith.constant 8 : i32
      %rem3A_91 = arith.remsi %scan3A_86, %rem3A_90 : i32
      %broadcast_in_dim3A = arith.constant 0.000000e+00 : f32
      %broadcast_in_dim3A_92 = vector.broadcast %broadcast_in_dim3A : f32 to vector<16xf32>
      %scan3A_93 = arith.constant 0 : i32
      %scan3A_94 = arith.constant 50 : i32
      %scan3A_95 = arith.addi %scan3A_93, %scan3A_94 : i32
      %scan3A_96 = arith.constant 1 : i32
      %scan3A_97:4 = scf.for %scan3A_131 = %scan3A_93 to %scan3A_95 step %scan3A_96 iter_args(%scan3A_132 = %broadcast_in_dim3A_92, %scan3A_133 = %broadcast_in_dim3A_92, %scan3A_134 = %broadcast_in_dim3A_92, %scan3A_135 = %broadcast_in_dim3A_92) -> (vector<16xf32>, vector<16xf32>, vector<16xf32>, vector<16xf32>)  : i32 {
        %get3A = arith.index_cast %rem3A_89 : i32 to index
        %get3A_136 = arith.index_cast %rem3A_91 : i32 to index
        %get3A_137 = arith.index_cast %scan3A_131 : i32 to index
        %get3A_138 = arith.constant 0 : index
        %get3A_139 = tpu.vector_load %arg6[%get3A, %get3A_136, %get3A_137, %get3A_138] {strides = array<i32>} : memref<2x8x50x128xf32, #tpu.memory_space<vmem>>, vector<1x1x1x16xf32>,
        %get3A_140 = vector.shape_cast %get3A_139 : vector<1x1x1x16xf32> to vector<16xf32>
        %add3A_141 = arith.addf %scan3A_132, %get3A_140 : vector<16xf32>
        %get3A_142 = arith.index_cast %rem3A_89 : i32 to index
        %get3A_143 = arith.index_cast %rem3A_91 : i32 to index
        %get3A_144 = arith.index_cast %scan3A_131 : i32 to index
        %get3A_145 = arith.constant 16 : index
        %get3A_146 = tpu.vector_load %arg6[%get3A_142, %get3A_143, %get3A_144, %get3A_145] {strides = array<i32>} : memref<2x8x50x128xf32, #tpu.memory_space<vmem>>, vector<1x1x1x16xf32>,
        %get3A_147 = vector.shape_cast %get3A_146 : vector<1x1x1x16xf32> to vector<16xf32>
        %add3A_148 = arith.addf %scan3A_133, %get3A_147 : vector<16xf32>
        %get3A_149 = arith.index_cast %rem3A_89 : i32 to index
        %get3A_150 = arith.index_cast %rem3A_91 : i32 to index
        %get3A_151 = arith.index_cast %scan3A_131 : i32 to index
        %get3A_152 = arith.constant 32 : index
        %get3A_153 = tpu.vector_load %arg6[%get3A_149, %get3A_150, %get3A_151, %get3A_152] {strides = array<i32>} : memref<2x8x50x128xf32, #tpu.memory_space<vmem>>, vector<1x1x1x16xf32>,
        %get3A_154 = vector.shape_cast %get3A_153 : vector<1x1x1x16xf32> to vector<16xf32>
        %add3A_155 = arith.addf %scan3A_134, %get3A_154 : vector<16xf32>
        %get3A_156 = arith.index_cast %rem3A_89 : i32 to index
        %get3A_157 = arith.index_cast %rem3A_91 : i32 to index
        %get3A_158 = arith.index_cast %scan3A_131 : i32 to index
        %get3A_159 = arith.constant 48 : index
        %get3A_160 = tpu.vector_load %arg6[%get3A_156, %get3A_157, %get3A_158, %get3A_159] {strides = array<i32>} : memref<2x8x50x128xf32, #tpu.memory_space<vmem>>, vector<1x1x1x16xf32>,
        %get3A_161 = vector.shape_cast %get3A_160 : vector<1x1x1x16xf32> to vector<16xf32>
        %add3A_162 = arith.addf %scan3A_135, %get3A_161 : vector<16xf32>
        scf.yield %add3A_141, %add3A_148, %add3A_155, %add3A_162 : vector<16xf32>, vector<16xf32>, vector<16xf32>, vector<16xf32>
      }
      %scan3A_98 = arith.constant 50 : i32
      %mul3A_99 = arith.constant 2.000000e-02 : f32
      %mul3A_100 = vector.broadcast %mul3A_99 : f32 to vector<16xf32>
      %mul3A_101 = arith.mulf %scan3A_97#0, %mul3A_100 : vector<16xf32>
      %swap3A = arith.index_cast %scan3A_86 : i32 to index
      %swap3A_102 = arith.constant 0 : index
      %swap3A_103 = tpu.vector_load %arg7[%swap3A, %swap3A_102] {strides = array<i32>} : memref<32x64xf32, #tpu.memory_space<vmem>>, vector<1x16xf32>,
      %swap3A_104 = vector.shape_cast %swap3A_103 : vector<1x16xf32> to vector<16xf32>
      %swap3A_105 = vector.shape_cast %mul3A_101 : vector<16xf32> to vector<1x16xf32>
      tpu.vector_store %arg7[%swap3A, %swap3A_102], %swap3A_105 {strides = array<i32>} : memref<32x64xf32, #tpu.memory_space<vmem>>, vector<1x16xf32>,
      %mul3A_106 = arith.constant 2.000000e-02 : f32
      %mul3A_107 = vector.broadcast %mul3A_106 : f32 to vector<16xf32>
      %mul3A_108 = arith.mulf %scan3A_97#1, %mul3A_107 : vector<16xf32>
      %swap3A_109 = arith.index_cast %scan3A_86 : i32 to index
      %swap3A_110 = arith.constant 16 : index
      %swap3A_111 = tpu.vector_load %arg7[%swap3A_109, %swap3A_110] {strides = array<i32>} : memref<32x64xf32, #tpu.memory_space<vmem>>, vector<1x16xf32>,
      %swap3A_112 = vector.shape_cast %swap3A_111 : vector<1x16xf32> to vector<16xf32>
      %swap3A_113 = vector.shape_cast %mul3A_108 : vector<16xf32> to vector<1x16xf32>
      tpu.vector_store %arg7[%swap3A_109, %swap3A_110], %swap3A_113 {strides = array<i32>} : memref<32x64xf32, #tpu.memory_space<vmem>>, vector<1x16xf32>,
      %mul3A_114 = arith.constant 2.000000e-02 : f32
      %mul3A_115 = vector.broadcast %mul3A_114 : f32 to vector<16xf32>
      %mul3A_116 = arith.mulf %scan3A_97#2, %mul3A_115 : vector<16xf32>
      %swap3A_117 = arith.index_cast %scan3A_86 : i32 to index
      %swap3A_118 = arith.constant 32 : index
      %swap3A_119 = tpu.vector_load %arg7[%swap3A_117, %swap3A_118] {strides = array<i32>} : memref<32x64xf32, #tpu.memory_space<vmem>>, vector<1x16xf32>,
      %swap3A_120 = vector.shape_cast %swap3A_119 : vector<1x16xf32> to vector<16xf32>
      %swap3A_121 = vector.shape_cast %mul3A_116 : vector<16xf32> to vector<1x16xf32>
      tpu.vector_store %arg7[%swap3A_117, %swap3A_118], %swap3A_121 {strides = array<i32>} : memref<32x64xf32, #tpu.memory_space<vmem>>, vector<1x16xf32>,
      %mul3A_122 = arith.constant 2.000000e-02 : f32
      %mul3A_123 = vector.broadcast %mul3A_122 : f32 to vector<16xf32>
      %mul3A_124 = arith.mulf %scan3A_97#3, %mul3A_123 : vector<16xf32>
      %swap3A_125 = arith.index_cast %scan3A_86 : i32 to index
      %swap3A_126 = arith.constant 48 : index
      %swap3A_127 = tpu.vector_load %arg7[%swap3A_125, %swap3A_126] {strides = array<i32>} : memref<32x64xf32, #tpu.memory_space<vmem>>, vector<1x16xf32>,
      %swap3A_128 = vector.shape_cast %swap3A_127 : vector<1x16xf32> to vector<16xf32>
      %swap3A_129 = vector.shape_cast %mul3A_124 : vector<16xf32> to vector<1x16xf32>
      tpu.vector_store %arg7[%swap3A_125, %swap3A_126], %swap3A_129 {strides = array<i32>} : memref<32x64xf32, #tpu.memory_space<vmem>>, vector<1x16xf32>,
      %scan3A_130 = arith.constant 0 : i32
      scf.yield %scan3A_130 : i32
    }
    %scan3A_29 = arith.constant 8 : i32
    %scan3A_30 = arith.constant 0 : i32
    %scan3A_31 = arith.constant 16 : i32
    %scan3A_32 = arith.constant 8 : i32
    %scan3A_33 = arith.addi %scan3A_31, %scan3A_32 : i32
    %scan3A_34 = arith.constant 1 : i32
    %scan3A_35 = scf.for %scan3A_86 = %scan3A_31 to %scan3A_33 step %scan3A_34 iter_args(%scan3A_87 = %scan3A_30) -> (i32)  : i32 {
      %div3A = arith.constant 8 : i32
      %div3A_88 = arith.divsi %scan3A_86, %div3A : i32
      %rem3A = arith.constant 2 : i32
      %rem3A_89 = arith.remsi %div3A_88, %rem3A : i32
      %rem3A_90 = arith.constant 8 : i32
      %rem3A_91 = arith.remsi %scan3A_86, %rem3A_90 : i32
      %dma_start3A = arith.constant 0 : i32
      %dma_start3A_92 = arith.constant 0 : i32
      %dma_start3A_93 = tpu.memref_slice %arg6[%rem3A_89, %rem3A_91, %dma_start3A, %dma_start3A_92] : memref<2x8x50x128xf32, #tpu.memory_space<vmem>> -> memref<1x1x50x128xf32, #tpu.memory_space<vmem>>
      %dma_start3A_94 = tpu.memref_squeeze %dma_start3A_93 : memref<1x1x50x128xf32, #tpu.memory_space<vmem>> -> memref<50x128xf32, #tpu.memory_space<vmem>>
      %dma_start3A_95 = arith.constant 0 : i32
      %dma_start3A_96 = tpu.memref_slice %arg5[%scan3A_86, %dma_start3A_95] : memref<32x50xi32, #tpu.memory_space<vmem>> -> memref<1x50xi32, #tpu.memory_space<vmem>>
      %dma_start3A_97 = tpu.memref_squeeze %dma_start3A_96 : memref<1x50xi32, #tpu.memory_space<vmem>> -> memref<50xi32, #tpu.memory_space<vmem>>
      %dma_start3A_98 = arith.constant 0 : i32
      %dma_start3A_99 = arith.constant 0 : i32
      %dma_start3A_100 = tpu.memref_slice %arg3[%dma_start3A_98, %dma_start3A_99] : memref<100000x128xf32, #tpu.memory_space<hbm>> -> memref<100000x128xf32, #tpu.memory_space<hbm>>
      tpu.enqueue_indirect_dma source(%dma_start3A_100 : memref<100000x128xf32, #tpu.memory_space<hbm>>) target(%dma_start3A_94 : memref<50x128xf32, #tpu.memory_space<vmem>>) offsets(%dma_start3A_97 : memref<50xi32, #tpu.memory_space<vmem>>) semaphore(%arg8 : memref<!tpu.dma_semaphore, #tpu.memory_space<semaphore_mem>>)
      %scan3A_101 = arith.constant 0 : i32
      scf.yield %scan3A_101 : i32
    }
    %scan3A_36 = arith.constant 8 : i32
    %scan3A_37 = arith.constant 0 : i32
    %scan3A_38 = arith.constant 8 : i32
    %scan3A_39 = arith.constant 8 : i32
    %scan3A_40 = arith.addi %scan3A_38, %scan3A_39 : i32
    %scan3A_41 = arith.constant 1 : i32
    %scan3A_42 = scf.for %scan3A_86 = %scan3A_38 to %scan3A_40 step %scan3A_41 iter_args(%scan3A_87 = %scan3A_37) -> (i32)  : i32 {
      %div3A = arith.constant 8 : i32
      %div3A_88 = arith.divsi %scan3A_86, %div3A : i32
      %rem3A = arith.constant 2 : i32
      %rem3A_89 = arith.remsi %div3A_88, %rem3A : i32
      %rem3A_90 = arith.constant 8 : i32
      %rem3A_91 = arith.remsi %scan3A_86, %rem3A_90 : i32
      %dma_wait3A = arith.constant 0 : i32
      %dma_wait3A_92 = arith.constant 0 : i32
      %dma_wait3A_93 = tpu.memref_slice %arg6[%rem3A_89, %rem3A_91, %dma_wait3A, %dma_wait3A_92] : memref<2x8x50x128xf32, #tpu.memory_space<vmem>> -> memref<1x1x50x128xf32, #tpu.memory_space<vmem>>
      %dma_wait3A_94 = tpu.memref_squeeze %dma_wait3A_93 : memref<1x1x50x128xf32, #tpu.memory_space<vmem>> -> memref<50x128xf32, #tpu.memory_space<vmem>>
      %dma_wait3A_95 = arith.constant 0 : i32
      %dma_wait3A_96 = tpu.memref_slice %arg5[%scan3A_86, %dma_wait3A_95] : memref<32x50xi32, #tpu.memory_space<vmem>> -> memref<1x50xi32, #tpu.memory_space<vmem>>
      %dma_wait3A_97 = tpu.memref_squeeze %dma_wait3A_96 : memref<1x50xi32, #tpu.memory_space<vmem>> -> memref<50xi32, #tpu.memory_space<vmem>>
      %dma_wait3A_98 = arith.constant 0 : i32
      %dma_wait3A_99 = arith.constant 0 : i32
      %dma_wait3A_100 = tpu.memref_slice %arg3[%dma_wait3A_98, %dma_wait3A_99] : memref<100000x128xf32, #tpu.memory_space<hbm>> -> memref<100000x128xf32, #tpu.memory_space<hbm>>
      tpu.wait_indirect_dma semaphore(%arg8 : memref<!tpu.dma_semaphore, #tpu.memory_space<semaphore_mem>>) src(%dma_wait3A_100 : memref<100000x128xf32, #tpu.memory_space<hbm>>) dst(%dma_wait3A_94 : memref<50x128xf32, #tpu.memory_space<vmem>>)
      %scan3A_101 = arith.constant 0 : i32
      scf.yield %scan3A_101 : i32
    }
    %scan3A_43 = arith.constant 8 : i32
    %scan3A_44 = arith.constant 0 : i32
    %scan3A_45 = arith.constant 8 : i32
    %scan3A_46 = arith.constant 8 : i32
    %scan3A_47 = arith.addi %scan3A_45, %scan3A_46 : i32
    %scan3A_48 = arith.constant 1 : i32
    %scan3A_49 = scf.for %scan3A_86 = %scan3A_45 to %scan3A_47 step %scan3A_48 iter_args(%scan3A_87 = %scan3A_44) -> (i32)  : i32 {
      %div3A = arith.constant 8 : i32
      %div3A_88 = arith.divsi %scan3A_86, %div3A : i32
      %rem3A = arith.constant 2 : i32
      %rem3A_89 = arith.remsi %div3A_88, %rem3A : i32
      %rem3A_90 = arith.constant 8 : i32
      %rem3A_91 = arith.remsi %scan3A_86, %rem3A_90 : i32
      %broadcast_in_dim3A = arith.constant 0.000000e+00 : f32
      %broadcast_in_dim3A_92 = vector.broadcast %broadcast_in_dim3A : f32 to vector<16xf32>
      %scan3A_93 = arith.constant 0 : i32
      %scan3A_94 = arith.constant 50 : i32
      %scan3A_95 = arith.addi %scan3A_93, %scan3A_94 : i32
      %scan3A_96 = arith.constant 1 : i32
      %scan3A_97:4 = scf.for %scan3A_131 = %scan3A_93 to %scan3A_95 step %scan3A_96 iter_args(%scan3A_132 = %broadcast_in_dim3A_92, %scan3A_133 = %broadcast_in_dim3A_92, %scan3A_134 = %broadcast_in_dim3A_92, %scan3A_135 = %broadcast_in_dim3A_92) -> (vector<16xf32>, vector<16xf32>, vector<16xf32>, vector<16xf32>)  : i32 {
        %get3A = arith.index_cast %rem3A_89 : i32 to index
        %get3A_136 = arith.index_cast %rem3A_91 : i32 to index
        %get3A_137 = arith.index_cast %scan3A_131 : i32 to index
        %get3A_138 = arith.constant 0 : index
        %get3A_139 = tpu.vector_load %arg6[%get3A, %get3A_136, %get3A_137, %get3A_138] {strides = array<i32>} : memref<2x8x50x128xf32, #tpu.memory_space<vmem>>, vector<1x1x1x16xf32>,
        %get3A_140 = vector.shape_cast %get3A_139 : vector<1x1x1x16xf32> to vector<16xf32>
        %add3A_141 = arith.addf %scan3A_132, %get3A_140 : vector<16xf32>
        %get3A_142 = arith.index_cast %rem3A_89 : i32 to index
        %get3A_143 = arith.index_cast %rem3A_91 : i32 to index
        %get3A_144 = arith.index_cast %scan3A_131 : i32 to index
        %get3A_145 = arith.constant 16 : index
        %get3A_146 = tpu.vector_load %arg6[%get3A_142, %get3A_143, %get3A_144, %get3A_145] {strides = array<i32>} : memref<2x8x50x128xf32, #tpu.memory_space<vmem>>, vector<1x1x1x16xf32>,
        %get3A_147 = vector.shape_cast %get3A_146 : vector<1x1x1x16xf32> to vector<16xf32>
        %add3A_148 = arith.addf %scan3A_133, %get3A_147 : vector<16xf32>
        %get3A_149 = arith.index_cast %rem3A_89 : i32 to index
        %get3A_150 = arith.index_cast %rem3A_91 : i32 to index
        %get3A_151 = arith.index_cast %scan3A_131 : i32 to index
        %get3A_152 = arith.constant 32 : index
        %get3A_153 = tpu.vector_load %arg6[%get3A_149, %get3A_150, %get3A_151, %get3A_152] {strides = array<i32>} : memref<2x8x50x128xf32, #tpu.memory_space<vmem>>, vector<1x1x1x16xf32>,
        %get3A_154 = vector.shape_cast %get3A_153 : vector<1x1x1x16xf32> to vector<16xf32>
        %add3A_155 = arith.addf %scan3A_134, %get3A_154 : vector<16xf32>
        %get3A_156 = arith.index_cast %rem3A_89 : i32 to index
        %get3A_157 = arith.index_cast %rem3A_91 : i32 to index
        %get3A_158 = arith.index_cast %scan3A_131 : i32 to index
        %get3A_159 = arith.constant 48 : index
        %get3A_160 = tpu.vector_load %arg6[%get3A_156, %get3A_157, %get3A_158, %get3A_159] {strides = array<i32>} : memref<2x8x50x128xf32, #tpu.memory_space<vmem>>, vector<1x1x1x16xf32>,
        %get3A_161 = vector.shape_cast %get3A_160 : vector<1x1x1x16xf32> to vector<16xf32>
        %add3A_162 = arith.addf %scan3A_135, %get3A_161 : vector<16xf32>
        scf.yield %add3A_141, %add3A_148, %add3A_155, %add3A_162 : vector<16xf32>, vector<16xf32>, vector<16xf32>, vector<16xf32>
      }
      %scan3A_98 = arith.constant 50 : i32
      %mul3A_99 = arith.constant 2.000000e-02 : f32
      %mul3A_100 = vector.broadcast %mul3A_99 : f32 to vector<16xf32>
      %mul3A_101 = arith.mulf %scan3A_97#0, %mul3A_100 : vector<16xf32>
      %swap3A = arith.index_cast %scan3A_86 : i32 to index
      %swap3A_102 = arith.constant 0 : index
      %swap3A_103 = tpu.vector_load %arg7[%swap3A, %swap3A_102] {strides = array<i32>} : memref<32x64xf32, #tpu.memory_space<vmem>>, vector<1x16xf32>,
      %swap3A_104 = vector.shape_cast %swap3A_103 : vector<1x16xf32> to vector<16xf32>
      %swap3A_105 = vector.shape_cast %mul3A_101 : vector<16xf32> to vector<1x16xf32>
      tpu.vector_store %arg7[%swap3A, %swap3A_102], %swap3A_105 {strides = array<i32>} : memref<32x64xf32, #tpu.memory_space<vmem>>, vector<1x16xf32>,
      %mul3A_106 = arith.constant 2.000000e-02 : f32
      %mul3A_107 = vector.broadcast %mul3A_106 : f32 to vector<16xf32>
      %mul3A_108 = arith.mulf %scan3A_97#1, %mul3A_107 : vector<16xf32>
      %swap3A_109 = arith.index_cast %scan3A_86 : i32 to index
      %swap3A_110 = arith.constant 16 : index
      %swap3A_111 = tpu.vector_load %arg7[%swap3A_109, %swap3A_110] {strides = array<i32>} : memref<32x64xf32, #tpu.memory_space<vmem>>, vector<1x16xf32>,
      %swap3A_112 = vector.shape_cast %swap3A_111 : vector<1x16xf32> to vector<16xf32>
      %swap3A_113 = vector.shape_cast %mul3A_108 : vector<16xf32> to vector<1x16xf32>
      tpu.vector_store %arg7[%swap3A_109, %swap3A_110], %swap3A_113 {strides = array<i32>} : memref<32x64xf32, #tpu.memory_space<vmem>>, vector<1x16xf32>,
      %mul3A_114 = arith.constant 2.000000e-02 : f32
      %mul3A_115 = vector.broadcast %mul3A_114 : f32 to vector<16xf32>
      %mul3A_116 = arith.mulf %scan3A_97#2, %mul3A_115 : vector<16xf32>
      %swap3A_117 = arith.index_cast %scan3A_86 : i32 to index
      %swap3A_118 = arith.constant 32 : index
      %swap3A_119 = tpu.vector_load %arg7[%swap3A_117, %swap3A_118] {strides = array<i32>} : memref<32x64xf32, #tpu.memory_space<vmem>>, vector<1x16xf32>,
      %swap3A_120 = vector.shape_cast %swap3A_119 : vector<1x16xf32> to vector<16xf32>
      %swap3A_121 = vector.shape_cast %mul3A_116 : vector<16xf32> to vector<1x16xf32>
      tpu.vector_store %arg7[%swap3A_117, %swap3A_118], %swap3A_121 {strides = array<i32>} : memref<32x64xf32, #tpu.memory_space<vmem>>, vector<1x16xf32>,
      %mul3A_122 = arith.constant 2.000000e-02 : f32
      %mul3A_123 = vector.broadcast %mul3A_122 : f32 to vector<16xf32>
      %mul3A_124 = arith.mulf %scan3A_97#3, %mul3A_123 : vector<16xf32>
      %swap3A_125 = arith.index_cast %scan3A_86 : i32 to index
      %swap3A_126 = arith.constant 48 : index
      %swap3A_127 = tpu.vector_load %arg7[%swap3A_125, %swap3A_126] {strides = array<i32>} : memref<32x64xf32, #tpu.memory_space<vmem>>, vector<1x16xf32>,
      %swap3A_128 = vector.shape_cast %swap3A_127 : vector<1x16xf32> to vector<16xf32>
      %swap3A_129 = vector.shape_cast %mul3A_124 : vector<16xf32> to vector<1x16xf32>
      tpu.vector_store %arg7[%swap3A_125, %swap3A_126], %swap3A_129 {strides = array<i32>} : memref<32x64xf32, #tpu.memory_space<vmem>>, vector<1x16xf32>,
      %scan3A_130 = arith.constant 0 : i32
      scf.yield %scan3A_130 : i32
    }
    %scan3A_50 = arith.constant 8 : i32
    %scan3A_51 = arith.constant 0 : i32
    %scan3A_52 = arith.constant 24 : i32
    %scan3A_53 = arith.constant 8 : i32
    %scan3A_54 = arith.addi %scan3A_52, %scan3A_53 : i32
    %scan3A_55 = arith.constant 1 : i32
    %scan3A_56 = scf.for %scan3A_86 = %scan3A_52 to %scan3A_54 step %scan3A_55 iter_args(%scan3A_87 = %scan3A_51) -> (i32)  : i32 {
      %div3A = arith.constant 8 : i32
      %div3A_88 = arith.divsi %scan3A_86, %div3A : i32
      %rem3A = arith.constant 2 : i32
      %rem3A_89 = arith.remsi %div3A_88, %rem3A : i32
      %rem3A_90 = arith.constant 8 : i32
      %rem3A_91 = arith.remsi %scan3A_86, %rem3A_90 : i32
      %dma_start3A = arith.constant 0 : i32
      %dma_start3A_92 = arith.constant 0 : i32
      %dma_start3A_93 = tpu.memref_slice %arg6[%rem3A_89, %rem3A_91, %dma_start3A, %dma_start3A_92] : memref<2x8x50x128xf32, #tpu.memory_space<vmem>> -> memref<1x1x50x128xf32, #tpu.memory_space<vmem>>
      %dma_start3A_94 = tpu.memref_squeeze %dma_start3A_93 : memref<1x1x50x128xf32, #tpu.memory_space<vmem>> -> memref<50x128xf32, #tpu.memory_space<vmem>>
      %dma_start3A_95 = arith.constant 0 : i32
      %dma_start3A_96 = tpu.memref_slice %arg5[%scan3A_86, %dma_start3A_95] : memref<32x50xi32, #tpu.memory_space<vmem>> -> memref<1x50xi32, #tpu.memory_space<vmem>>
      %dma_start3A_97 = tpu.memref_squeeze %dma_start3A_96 : memref<1x50xi32, #tpu.memory_space<vmem>> -> memref<50xi32, #tpu.memory_space<vmem>>
      %dma_start3A_98 = arith.constant 0 : i32
      %dma_start3A_99 = arith.constant 0 : i32
      %dma_start3A_100 = tpu.memref_slice %arg3[%dma_start3A_98, %dma_start3A_99] : memref<100000x128xf32, #tpu.memory_space<hbm>> -> memref<100000x128xf32, #tpu.memory_space<hbm>>
      tpu.enqueue_indirect_dma source(%dma_start3A_100 : memref<100000x128xf32, #tpu.memory_space<hbm>>) target(%dma_start3A_94 : memref<50x128xf32, #tpu.memory_space<vmem>>) offsets(%dma_start3A_97 : memref<50xi32, #tpu.memory_space<vmem>>) semaphore(%arg8 : memref<!tpu.dma_semaphore, #tpu.memory_space<semaphore_mem>>)
      %scan3A_101 = arith.constant 0 : i32
      scf.yield %scan3A_101 : i32
    }
    %scan3A_57 = arith.constant 8 : i32
    %scan3A_58 = arith.constant 0 : i32
    %scan3A_59 = arith.constant 16 : i32
    %scan3A_60 = arith.constant 8 : i32
    %scan3A_61 = arith.addi %scan3A_59, %scan3A_60 : i32
    %scan3A_62 = arith.constant 1 : i32
    %scan3A_63 = scf.for %scan3A_86 = %scan3A_59 to %scan3A_61 step %scan3A_62 iter_args(%scan3A_87 = %scan3A_58) -> (i32)  : i32 {
      %div3A = arith.constant 8 : i32
      %div3A_88 = arith.divsi %scan3A_86, %div3A : i32
      %rem3A = arith.constant 2 : i32
      %rem3A_89 = arith.remsi %div3A_88, %rem3A : i32
      %rem3A_90 = arith.constant 8 : i32
      %rem3A_91 = arith.remsi %scan3A_86, %rem3A_90 : i32
      %dma_wait3A = arith.constant 0 : i32
      %dma_wait3A_92 = arith.constant 0 : i32
      %dma_wait3A_93 = tpu.memref_slice %arg6[%rem3A_89, %rem3A_91, %dma_wait3A, %dma_wait3A_92] : memref<2x8x50x128xf32, #tpu.memory_space<vmem>> -> memref<1x1x50x128xf32, #tpu.memory_space<vmem>>
      %dma_wait3A_94 = tpu.memref_squeeze %dma_wait3A_93 : memref<1x1x50x128xf32, #tpu.memory_space<vmem>> -> memref<50x128xf32, #tpu.memory_space<vmem>>
      %dma_wait3A_95 = arith.constant 0 : i32
      %dma_wait3A_96 = tpu.memref_slice %arg5[%scan3A_86, %dma_wait3A_95] : memref<32x50xi32, #tpu.memory_space<vmem>> -> memref<1x50xi32, #tpu.memory_space<vmem>>
      %dma_wait3A_97 = tpu.memref_squeeze %dma_wait3A_96 : memref<1x50xi32, #tpu.memory_space<vmem>> -> memref<50xi32, #tpu.memory_space<vmem>>
      %dma_wait3A_98 = arith.constant 0 : i32
      %dma_wait3A_99 = arith.constant 0 : i32
      %dma_wait3A_100 = tpu.memref_slice %arg3[%dma_wait3A_98, %dma_wait3A_99] : memref<100000x128xf32, #tpu.memory_space<hbm>> -> memref<100000x128xf32, #tpu.memory_space<hbm>>
      tpu.wait_indirect_dma semaphore(%arg8 : memref<!tpu.dma_semaphore, #tpu.memory_space<semaphore_mem>>) src(%dma_wait3A_100 : memref<100000x128xf32, #tpu.memory_space<hbm>>) dst(%dma_wait3A_94 : memref<50x128xf32, #tpu.memory_space<vmem>>)
      %scan3A_101 = arith.constant 0 : i32
      scf.yield %scan3A_101 : i32
    }
    %scan3A_64 = arith.constant 8 : i32
    %scan3A_65 = arith.constant 0 : i32
    %scan3A_66 = arith.constant 16 : i32
    %scan3A_67 = arith.constant 8 : i32
    %scan3A_68 = arith.addi %scan3A_66, %scan3A_67 : i32
    %scan3A_69 = arith.constant 1 : i32
    %scan3A_70 = scf.for %scan3A_86 = %scan3A_66 to %scan3A_68 step %scan3A_69 iter_args(%scan3A_87 = %scan3A_65) -> (i32)  : i32 {
      %div3A = arith.constant 8 : i32
      %div3A_88 = arith.divsi %scan3A_86, %div3A : i32
      %rem3A = arith.constant 2 : i32
      %rem3A_89 = arith.remsi %div3A_88, %rem3A : i32
      %rem3A_90 = arith.constant 8 : i32
      %rem3A_91 = arith.remsi %scan3A_86, %rem3A_90 : i32
      %broadcast_in_dim3A = arith.constant 0.000000e+00 : f32
      %broadcast_in_dim3A_92 = vector.broadcast %broadcast_in_dim3A : f32 to vector<16xf32>
      %scan3A_93 = arith.constant 0 : i32
      %scan3A_94 = arith.constant 50 : i32
      %scan3A_95 = arith.addi %scan3A_93, %scan3A_94 : i32
      %scan3A_96 = arith.constant 1 : i32
      %scan3A_97:4 = scf.for %scan3A_131 = %scan3A_93 to %scan3A_95 step %scan3A_96 iter_args(%scan3A_132 = %broadcast_in_dim3A_92, %scan3A_133 = %broadcast_in_dim3A_92, %scan3A_134 = %broadcast_in_dim3A_92, %scan3A_135 = %broadcast_in_dim3A_92) -> (vector<16xf32>, vector<16xf32>, vector<16xf32>, vector<16xf32>)  : i32 {
        %get3A = arith.index_cast %rem3A_89 : i32 to index
        %get3A_136 = arith.index_cast %rem3A_91 : i32 to index
        %get3A_137 = arith.index_cast %scan3A_131 : i32 to index
        %get3A_138 = arith.constant 0 : index
        %get3A_139 = tpu.vector_load %arg6[%get3A, %get3A_136, %get3A_137, %get3A_138] {strides = array<i32>} : memref<2x8x50x128xf32, #tpu.memory_space<vmem>>, vector<1x1x1x16xf32>,
        %get3A_140 = vector.shape_cast %get3A_139 : vector<1x1x1x16xf32> to vector<16xf32>
        %add3A_141 = arith.addf %scan3A_132, %get3A_140 : vector<16xf32>
        %get3A_142 = arith.index_cast %rem3A_89 : i32 to index
        %get3A_143 = arith.index_cast %rem3A_91 : i32 to index
        %get3A_144 = arith.index_cast %scan3A_131 : i32 to index
        %get3A_145 = arith.constant 16 : index
        %get3A_146 = tpu.vector_load %arg6[%get3A_142, %get3A_143, %get3A_144, %get3A_145] {strides = array<i32>} : memref<2x8x50x128xf32, #tpu.memory_space<vmem>>, vector<1x1x1x16xf32>,
        %get3A_147 = vector.shape_cast %get3A_146 : vector<1x1x1x16xf32> to vector<16xf32>
        %add3A_148 = arith.addf %scan3A_133, %get3A_147 : vector<16xf32>
        %get3A_149 = arith.index_cast %rem3A_89 : i32 to index
        %get3A_150 = arith.index_cast %rem3A_91 : i32 to index
        %get3A_151 = arith.index_cast %scan3A_131 : i32 to index
        %get3A_152 = arith.constant 32 : index
        %get3A_153 = tpu.vector_load %arg6[%get3A_149, %get3A_150, %get3A_151, %get3A_152] {strides = array<i32>} : memref<2x8x50x128xf32, #tpu.memory_space<vmem>>, vector<1x1x1x16xf32>,
        %get3A_154 = vector.shape_cast %get3A_153 : vector<1x1x1x16xf32> to vector<16xf32>
        %add3A_155 = arith.addf %scan3A_134, %get3A_154 : vector<16xf32>
        %get3A_156 = arith.index_cast %rem3A_89 : i32 to index
        %get3A_157 = arith.index_cast %rem3A_91 : i32 to index
        %get3A_158 = arith.index_cast %scan3A_131 : i32 to index
        %get3A_159 = arith.constant 48 : index
        %get3A_160 = tpu.vector_load %arg6[%get3A_156, %get3A_157, %get3A_158, %get3A_159] {strides = array<i32>} : memref<2x8x50x128xf32, #tpu.memory_space<vmem>>, vector<1x1x1x16xf32>,
        %get3A_161 = vector.shape_cast %get3A_160 : vector<1x1x1x16xf32> to vector<16xf32>
        %add3A_162 = arith.addf %scan3A_135, %get3A_161 : vector<16xf32>
        scf.yield %add3A_141, %add3A_148, %add3A_155, %add3A_162 : vector<16xf32>, vector<16xf32>, vector<16xf32>, vector<16xf32>
      }
      %scan3A_98 = arith.constant 50 : i32
      %mul3A_99 = arith.constant 2.000000e-02 : f32
      %mul3A_100 = vector.broadcast %mul3A_99 : f32 to vector<16xf32>
      %mul3A_101 = arith.mulf %scan3A_97#0, %mul3A_100 : vector<16xf32>
      %swap3A = arith.index_cast %scan3A_86 : i32 to index
      %swap3A_102 = arith.constant 0 : index
      %swap3A_103 = tpu.vector_load %arg7[%swap3A, %swap3A_102] {strides = array<i32>} : memref<32x64xf32, #tpu.memory_space<vmem>>, vector<1x16xf32>,
      %swap3A_104 = vector.shape_cast %swap3A_103 : vector<1x16xf32> to vector<16xf32>
      %swap3A_105 = vector.shape_cast %mul3A_101 : vector<16xf32> to vector<1x16xf32>
      tpu.vector_store %arg7[%swap3A, %swap3A_102], %swap3A_105 {strides = array<i32>} : memref<32x64xf32, #tpu.memory_space<vmem>>, vector<1x16xf32>,
      %mul3A_106 = arith.constant 2.000000e-02 : f32
      %mul3A_107 = vector.broadcast %mul3A_106 : f32 to vector<16xf32>
      %mul3A_108 = arith.mulf %scan3A_97#1, %mul3A_107 : vector<16xf32>
      %swap3A_109 = arith.index_cast %scan3A_86 : i32 to index
      %swap3A_110 = arith.constant 16 : index
      %swap3A_111 = tpu.vector_load %arg7[%swap3A_109, %swap3A_110] {strides = array<i32>} : memref<32x64xf32, #tpu.memory_space<vmem>>, vector<1x16xf32>,
      %swap3A_112 = vector.shape_cast %swap3A_111 : vector<1x16xf32> to vector<16xf32>
      %swap3A_113 = vector.shape_cast %mul3A_108 : vector<16xf32> to vector<1x16xf32>
      tpu.vector_store %arg7[%swap3A_109, %swap3A_110], %swap3A_113 {strides = array<i32>} : memref<32x64xf32, #tpu.memory_space<vmem>>, vector<1x16xf32>,
      %mul3A_114 = arith.constant 2.000000e-02 : f32
      %mul3A_115 = vector.broadcast %mul3A_114 : f32 to vector<16xf32>
      %mul3A_116 = arith.mulf %scan3A_97#2, %mul3A_115 : vector<16xf32>
      %swap3A_117 = arith.index_cast %scan3A_86 : i32 to index
      %swap3A_118 = arith.constant 32 : index
      %swap3A_119 = tpu.vector_load %arg7[%swap3A_117, %swap3A_118] {strides = array<i32>} : memref<32x64xf32, #tpu.memory_space<vmem>>, vector<1x16xf32>,
      %swap3A_120 = vector.shape_cast %swap3A_119 : vector<1x16xf32> to vector<16xf32>
      %swap3A_121 = vector.shape_cast %mul3A_116 : vector<16xf32> to vector<1x16xf32>
      tpu.vector_store %arg7[%swap3A_117, %swap3A_118], %swap3A_121 {strides = array<i32>} : memref<32x64xf32, #tpu.memory_space<vmem>>, vector<1x16xf32>,
      %mul3A_122 = arith.constant 2.000000e-02 : f32
      %mul3A_123 = vector.broadcast %mul3A_122 : f32 to vector<16xf32>
      %mul3A_124 = arith.mulf %scan3A_97#3, %mul3A_123 : vector<16xf32>
      %swap3A_125 = arith.index_cast %scan3A_86 : i32 to index
      %swap3A_126 = arith.constant 48 : index
      %swap3A_127 = tpu.vector_load %arg7[%swap3A_125, %swap3A_126] {strides = array<i32>} : memref<32x64xf32, #tpu.memory_space<vmem>>, vector<1x16xf32>,
      %swap3A_128 = vector.shape_cast %swap3A_127 : vector<1x16xf32> to vector<16xf32>
      %swap3A_129 = vector.shape_cast %mul3A_124 : vector<16xf32> to vector<1x16xf32>
      tpu.vector_store %arg7[%swap3A_125, %swap3A_126], %swap3A_129 {strides = array<i32>} : memref<32x64xf32, #tpu.memory_space<vmem>>, vector<1x16xf32>,
      %scan3A_130 = arith.constant 0 : i32
      scf.yield %scan3A_130 : i32
    }
    %scan3A_71 = arith.constant 8 : i32
    %scan3A_72 = arith.constant 0 : i32
    %scan3A_73 = arith.constant 24 : i32
    %scan3A_74 = arith.constant 8 : i32
    %scan3A_75 = arith.addi %scan3A_73, %scan3A_74 : i32
    %scan3A_76 = arith.constant 1 : i32
    %scan3A_77 = scf.for %scan3A_86 = %scan3A_73 to %scan3A_75 step %scan3A_76 iter_args(%scan3A_87 = %scan3A_72) -> (i32)  : i32 {
      %div3A = arith.constant 8 : i32
      %div3A_88 = arith.divsi %scan3A_86, %div3A : i32
      %rem3A = arith.constant 2 : i32
      %rem3A_89 = arith.remsi %div3A_88, %rem3A : i32
      %rem3A_90 = arith.constant 8 : i32
      %rem3A_91 = arith.remsi %scan3A_86, %rem3A_90 : i32
      %dma_wait3A = arith.constant 0 : i32
      %dma_wait3A_92 = arith.constant 0 : i32
      %dma_wait3A_93 = tpu.memref_slice %arg6[%rem3A_89, %rem3A_91, %dma_wait3A, %dma_wait3A_92] : memref<2x8x50x128xf32, #tpu.memory_space<vmem>> -> memref<1x1x50x128xf32, #tpu.memory_space<vmem>>
      %dma_wait3A_94 = tpu.memref_squeeze %dma_wait3A_93 : memref<1x1x50x128xf32, #tpu.memory_space<vmem>> -> memref<50x128xf32, #tpu.memory_space<vmem>>
      %dma_wait3A_95 = arith.constant 0 : i32
      %dma_wait3A_96 = tpu.memref_slice %arg5[%scan3A_86, %dma_wait3A_95] : memref<32x50xi32, #tpu.memory_space<vmem>> -> memref<1x50xi32, #tpu.memory_space<vmem>>
      %dma_wait3A_97 = tpu.memref_squeeze %dma_wait3A_96 : memref<1x50xi32, #tpu.memory_space<vmem>> -> memref<50xi32, #tpu.memory_space<vmem>>
      %dma_wait3A_98 = arith.constant 0 : i32
      %dma_wait3A_99 = arith.constant 0 : i32
      %dma_wait3A_100 = tpu.memref_slice %arg3[%dma_wait3A_98, %dma_wait3A_99] : memref<100000x128xf32, #tpu.memory_space<hbm>> -> memref<100000x128xf32, #tpu.memory_space<hbm>>
      tpu.wait_indirect_dma semaphore(%arg8 : memref<!tpu.dma_semaphore, #tpu.memory_space<semaphore_mem>>) src(%dma_wait3A_100 : memref<100000x128xf32, #tpu.memory_space<hbm>>) dst(%dma_wait3A_94 : memref<50x128xf32, #tpu.memory_space<vmem>>)
      %scan3A_101 = arith.constant 0 : i32
      scf.yield %scan3A_101 : i32
    }
    %scan3A_78 = arith.constant 8 : i32
    %scan3A_79 = arith.constant 0 : i32
    %scan3A_80 = arith.constant 24 : i32
    %scan3A_81 = arith.constant 8 : i32
    %scan3A_82 = arith.addi %scan3A_80, %scan3A_81 : i32
    %scan3A_83 = arith.constant 1 : i32
    %scan3A_84 = scf.for %scan3A_86 = %scan3A_80 to %scan3A_82 step %scan3A_83 iter_args(%scan3A_87 = %scan3A_79) -> (i32)  : i32 {
      %div3A = arith.constant 8 : i32
      %div3A_88 = arith.divsi %scan3A_86, %div3A : i32
      %rem3A = arith.constant 2 : i32
      %rem3A_89 = arith.remsi %div3A_88, %rem3A : i32
      %rem3A_90 = arith.constant 8 : i32
      %rem3A_91 = arith.remsi %scan3A_86, %rem3A_90 : i32
      %broadcast_in_dim3A = arith.constant 0.000000e+00 : f32
      %broadcast_in_dim3A_92 = vector.broadcast %broadcast_in_dim3A : f32 to vector<16xf32>
      %scan3A_93 = arith.constant 0 : i32
      %scan3A_94 = arith.constant 50 : i32
      %scan3A_95 = arith.addi %scan3A_93, %scan3A_94 : i32
      %scan3A_96 = arith.constant 1 : i32
      %scan3A_97:4 = scf.for %scan3A_131 = %scan3A_93 to %scan3A_95 step %scan3A_96 iter_args(%scan3A_132 = %broadcast_in_dim3A_92, %scan3A_133 = %broadcast_in_dim3A_92, %scan3A_134 = %broadcast_in_dim3A_92, %scan3A_135 = %broadcast_in_dim3A_92) -> (vector<16xf32>, vector<16xf32>, vector<16xf32>, vector<16xf32>)  : i32 {
        %get3A = arith.index_cast %rem3A_89 : i32 to index
        %get3A_136 = arith.index_cast %rem3A_91 : i32 to index
        %get3A_137 = arith.index_cast %scan3A_131 : i32 to index
        %get3A_138 = arith.constant 0 : index
        %get3A_139 = tpu.vector_load %arg6[%get3A, %get3A_136, %get3A_137, %get3A_138] {strides = array<i32>} : memref<2x8x50x128xf32, #tpu.memory_space<vmem>>, vector<1x1x1x16xf32>,
        %get3A_140 = vector.shape_cast %get3A_139 : vector<1x1x1x16xf32> to vector<16xf32>
        %add3A_141 = arith.addf %scan3A_132, %get3A_140 : vector<16xf32>
        %get3A_142 = arith.index_cast %rem3A_89 : i32 to index
        %get3A_143 = arith.index_cast %rem3A_91 : i32 to index
        %get3A_144 = arith.index_cast %scan3A_131 : i32 to index
        %get3A_145 = arith.constant 16 : index
        %get3A_146 = tpu.vector_load %arg6[%get3A_142, %get3A_143, %get3A_144, %get3A_145] {strides = array<i32>} : memref<2x8x50x128xf32, #tpu.memory_space<vmem>>, vector<1x1x1x16xf32>,
        %get3A_147 = vector.shape_cast %get3A_146 : vector<1x1x1x16xf32> to vector<16xf32>
        %add3A_148 = arith.addf %scan3A_133, %get3A_147 : vector<16xf32>
        %get3A_149 = arith.index_cast %rem3A_89 : i32 to index
        %get3A_150 = arith.index_cast %rem3A_91 : i32 to index
        %get3A_151 = arith.index_cast %scan3A_131 : i32 to index
        %get3A_152 = arith.constant 32 : index
        %get3A_153 = tpu.vector_load %arg6[%get3A_149, %get3A_150, %get3A_151, %get3A_152] {strides = array<i32>} : memref<2x8x50x128xf32, #tpu.memory_space<vmem>>, vector<1x1x1x16xf32>,
        %get3A_154 = vector.shape_cast %get3A_153 : vector<1x1x1x16xf32> to vector<16xf32>
        %add3A_155 = arith.addf %scan3A_134, %get3A_154 : vector<16xf32>
        %get3A_156 = arith.index_cast %rem3A_89 : i32 to index
        %get3A_157 = arith.index_cast %rem3A_91 : i32 to index
        %get3A_158 = arith.index_cast %scan3A_131 : i32 to index
        %get3A_159 = arith.constant 48 : index
        %get3A_160 = tpu.vector_load %arg6[%get3A_156, %get3A_157, %get3A_158, %get3A_159] {strides = array<i32>} : memref<2x8x50x128xf32, #tpu.memory_space<vmem>>, vector<1x1x1x16xf32>,
        %get3A_161 = vector.shape_cast %get3A_160 : vector<1x1x1x16xf32> to vector<16xf32>
        %add3A_162 = arith.addf %scan3A_135, %get3A_161 : vector<16xf32>
        scf.yield %add3A_141, %add3A_148, %add3A_155, %add3A_162 : vector<16xf32>, vector<16xf32>, vector<16xf32>, vector<16xf32>
      }
      %scan3A_98 = arith.constant 50 : i32
      %mul3A_99 = arith.constant 2.000000e-02 : f32
      %mul3A_100 = vector.broadcast %mul3A_99 : f32 to vector<16xf32>
      %mul3A_101 = arith.mulf %scan3A_97#0, %mul3A_100 : vector<16xf32>
      %swap3A = arith.index_cast %scan3A_86 : i32 to index
      %swap3A_102 = arith.constant 0 : index
      %swap3A_103 = tpu.vector_load %arg7[%swap3A, %swap3A_102] {strides = array<i32>} : memref<32x64xf32, #tpu.memory_space<vmem>>, vector<1x16xf32>,
      %swap3A_104 = vector.shape_cast %swap3A_103 : vector<1x16xf32> to vector<16xf32>
      %swap3A_105 = vector.shape_cast %mul3A_101 : vector<16xf32> to vector<1x16xf32>
      tpu.vector_store %arg7[%swap3A, %swap3A_102], %swap3A_105 {strides = array<i32>} : memref<32x64xf32, #tpu.memory_space<vmem>>, vector<1x16xf32>,
      %mul3A_106 = arith.constant 2.000000e-02 : f32
      %mul3A_107 = vector.broadcast %mul3A_106 : f32 to vector<16xf32>
      %mul3A_108 = arith.mulf %scan3A_97#1, %mul3A_107 : vector<16xf32>
      %swap3A_109 = arith.index_cast %scan3A_86 : i32 to index
      %swap3A_110 = arith.constant 16 : index
      %swap3A_111 = tpu.vector_load %arg7[%swap3A_109, %swap3A_110] {strides = array<i32>} : memref<32x64xf32, #tpu.memory_space<vmem>>, vector<1x16xf32>,
      %swap3A_112 = vector.shape_cast %swap3A_111 : vector<1x16xf32> to vector<16xf32>
      %swap3A_113 = vector.shape_cast %mul3A_108 : vector<16xf32> to vector<1x16xf32>
      tpu.vector_store %arg7[%swap3A_109, %swap3A_110], %swap3A_113 {strides = array<i32>} : memref<32x64xf32, #tpu.memory_space<vmem>>, vector<1x16xf32>,
      %mul3A_114 = arith.constant 2.000000e-02 : f32
      %mul3A_115 = vector.broadcast %mul3A_114 : f32 to vector<16xf32>
      %mul3A_116 = arith.mulf %scan3A_97#2, %mul3A_115 : vector<16xf32>
      %swap3A_117 = arith.index_cast %scan3A_86 : i32 to index
      %swap3A_118 = arith.constant 32 : index
      %swap3A_119 = tpu.vector_load %arg7[%swap3A_117, %swap3A_118] {strides = array<i32>} : memref<32x64xf32, #tpu.memory_space<vmem>>, vector<1x16xf32>,
      %swap3A_120 = vector.shape_cast %swap3A_119 : vector<1x16xf32> to vector<16xf32>
      %swap3A_121 = vector.shape_cast %mul3A_116 : vector<16xf32> to vector<1x16xf32>
      tpu.vector_store %arg7[%swap3A_117, %swap3A_118], %swap3A_121 {strides = array<i32>} : memref<32x64xf32, #tpu.memory_space<vmem>>, vector<1x16xf32>,
      %mul3A_122 = arith.constant 2.000000e-02 : f32
      %mul3A_123 = vector.broadcast %mul3A_122 : f32 to vector<16xf32>
      %mul3A_124 = arith.mulf %scan3A_97#3, %mul3A_123 : vector<16xf32>
      %swap3A_125 = arith.index_cast %scan3A_86 : i32 to index
      %swap3A_126 = arith.constant 48 : index
      %swap3A_127 = tpu.vector_load %arg7[%swap3A_125, %swap3A_126] {strides = array<i32>} : memref<32x64xf32, #tpu.memory_space<vmem>>, vector<1x16xf32>,
      %swap3A_128 = vector.shape_cast %swap3A_127 : vector<1x16xf32> to vector<16xf32>
      %swap3A_129 = vector.shape_cast %mul3A_124 : vector<16xf32> to vector<1x16xf32>
      tpu.vector_store %arg7[%swap3A_125, %swap3A_126], %swap3A_129 {strides = array<i32>} : memref<32x64xf32, #tpu.memory_space<vmem>>, vector<1x16xf32>,
      %scan3A_130 = arith.constant 0 : i32
      scf.yield %scan3A_130 : i32
    }
    %scan3A_85 = arith.constant 8 : i32
    "tpu.region"() ({
      %run_scoped3A = tpu.sem_alloc : memref<!tpu.dma_semaphore, #tpu.memory_space<semaphore_mem>>
      %dma_start3A = arith.constant 0 : i32
      %dma_start3A_86 = tpu.memref_slice %arg4[%mul3A_2, %dma_start3A] : memref<1024x64xf32, #tpu.memory_space<hbm>> -> memref<32x64xf32, #tpu.memory_space<hbm>>
      %dma_start3A_87 = arith.constant 0 : i32
      %dma_start3A_88 = tpu.memref_slice %arg4[%mul3A_2, %dma_start3A_87] : memref<1024x64xf32, #tpu.memory_space<hbm>> -> memref<32x64xf32, #tpu.memory_space<hbm>>
      tpu.enqueue_dma source(%arg7 : memref<32x64xf32, #tpu.memory_space<vmem>>) target(%dma_start3A_88 : memref<32x64xf32, #tpu.memory_space<hbm>>) target_semaphore(%run_scoped3A : memref<!tpu.dma_semaphore, #tpu.memory_space<semaphore_mem>>)
      %dma_wait3A = arith.constant 0 : i32
      %dma_wait3A_89 = tpu.memref_slice %arg4[%mul3A_2, %dma_wait3A] : memref<1024x64xf32, #tpu.memory_space<hbm>> -> memref<32x64xf32, #tpu.memory_space<hbm>>
      %dma_wait3A_90 = arith.constant 0 : i32
      %dma_wait3A_91 = tpu.memref_slice %arg4[%mul3A_2, %dma_wait3A_90] : memref<1024x64xf32, #tpu.memory_space<hbm>> -> memref<32x64xf32, #tpu.memory_space<hbm>>
      tpu.wait_dma2 semaphore(%run_scoped3A : memref<!tpu.dma_semaphore, #tpu.memory_space<semaphore_mem>>) src(%arg7 : memref<32x64xf32, #tpu.memory_space<vmem>>) dst(%dma_wait3A_91 : memref<32x64xf32, #tpu.memory_space<hbm>>)
      tpu.yield
    }) : () -> ()
    return
  }
}

module attributes {stable_mosaic.version = 14 : i64} {
  func.func @_mm_body(%arg0: i32, %arg1: memref<1024x64xf32, #tpu.memory_space<vmem>>, %arg2: memref<64x2048xf32, #tpu.memory_space<vmem>>, %arg3: memref<1x2048xf32, #tpu.memory_space<vmem>>, %arg4: memref<2048x1024xf32, #tpu.memory_space<vmem>>) attributes {dimension_semantics = [#tpu.dimension_semantics<arbitrary>], iteration_bounds = array<i64: 49>, scalar_prefetch = 0 : i64, scratch_operands = 0 : i64, tpu.core_type = #tpu.core_type<tc>, window_params = [{pipeline_mode = #tpu.pipeline_mode<synchronous>, transform_indices = @transform_0, window_bounds = array<i64: 1024, 64>}, {transform_indices = @transform_1, window_bounds = array<i64: 64, 2048>}, {transform_indices = @transform_2, window_bounds = array<i64: 1, 2048>}, {transform_indices = @transform_3, window_bounds = array<i64: 2048, 1024>}]} {
    %get3A = arith.constant 0 : index
    %get3A_0 = arith.constant 0 : index
    %get3A_1 = vector.load %arg2[%get3A, %get3A_0] : memref<64x2048xf32, #tpu.memory_space<vmem>>, vector<64x2048xf32>
    %get3A_2 = arith.constant 0 : index
    %get3A_3 = arith.constant 0 : index
    %get3A_4 = vector.load %arg3[%get3A_2, %get3A_3] : memref<1x2048xf32, #tpu.memory_space<vmem>>, vector<1x2048xf32>
    %concatenate3A = tpu.concatenate %get3A_1, %get3A_4 in 0 : vector<64x2048xf32>, vector<1x2048xf32> -> vector<65x2048xf32>
    %broadcast_in_dim3A = arith.constant 1.000000e+00 : f32
    %broadcast_in_dim3A_5 = vector.broadcast %broadcast_in_dim3A : f32 to vector<1024x1xf32>
    %get3A_6 = arith.constant 0 : index
    %get3A_7 = arith.constant 0 : index
    %get3A_8 = vector.load %arg1[%get3A_6, %get3A_7] : memref<1024x64xf32, #tpu.memory_space<vmem>>, vector<1024x64xf32>
    %concatenate3A_9 = tpu.concatenate %get3A_8, %broadcast_in_dim3A_5 in 1 : vector<1024x64xf32>, vector<1024x1xf32> -> vector<1024x65xf32>
    %dot_general3A = arith.constant dense<0.000000e+00> : vector<2048x1024xf32>
    %dot_general3A_10 = tpu.matmul %concatenate3A, %concatenate3A_9, %dot_general3A {dimension_numbers = #tpu.dot_dimension_numbers<[0], [1], [1], [0], [0, 1, 1, 0], [], []>, transpose_lhs_hint = false} : vector<65x2048xf32>, vector<1024x65xf32>, vector<2048x1024xf32> -> vector<2048x1024xf32>
    %swap3A = arith.constant 0 : index
    %swap3A_11 = arith.constant 0 : index
    %swap3A_12 = vector.load %arg4[%swap3A, %swap3A_11] : memref<2048x1024xf32, #tpu.memory_space<vmem>>, vector<2048x1024xf32>
    tpu.vector_store %arg4[%swap3A, %swap3A_11], %dot_general3A_10 {strides = array<i32>} : memref<2048x1024xf32, #tpu.memory_space<vmem>>, vector<2048x1024xf32>,
    return
  }
  func.func @transform_0(%arg0: i32) -> (i32, i32) {
    %c0_i32 = arith.constant 0 : i32
    %c0_i32_0 = arith.constant 0 : i32
    %c0_i32_1 = arith.constant 0 : i32
    return %c0_i32, %c0_i32_0 : i32, i32
  }
  func.func @transform_1(%arg0: i32) -> (i32, i32) {
    %c0_i32 = arith.constant 0 : i32
    %c0_i32_0 = arith.constant 0 : i32
    return %c0_i32, %arg0 : i32, i32
  }
  func.func @transform_2(%arg0: i32) -> (i32, i32) {
    %c0_i32 = arith.constant 0 : i32
    %c0_i32_0 = arith.constant 0 : i32
    return %c0_i32, %arg0 : i32, i32
  }
  func.func @transform_3(%arg0: i32) -> (i32, i32) {
    %c0_i32 = arith.constant 0 : i32
    %c0_i32_0 = arith.constant 0 : i32
    return %arg0, %c0_i32 : i32, i32
  }
}

module attributes {stable_mosaic.version = 14 : i64} {
  func.func @_repack_body(%arg0: i32, %arg1: memref<64x4096xf32, #tpu.memory_space<vmem>>, %arg2: memref<4096x128xf32, #tpu.memory_space<vmem>>) attributes {dimension_semantics = [#tpu.dimension_semantics<arbitrary>], iteration_bounds = array<i64: 25>, scalar_prefetch = 0 : i64, scratch_operands = 0 : i64, tpu.core_type = #tpu.core_type<tc>, window_params = [{transform_indices = @transform_0, window_bounds = array<i64: 64, 4096>}, {transform_indices = @transform_1, window_bounds = array<i64: 4096, 128>}]} {
    %iota3A = tpu.iota {dimensions = array<i32: 0>} : vector<64x64xi32>
    %iota3A_0 = tpu.iota {dimensions = array<i32: 1>} : vector<64x64xi32>
    %eq3A = arith.cmpi eq, %iota3A, %iota3A_0 : vector<64x64xi32>
    %convert_element_type3A = arith.extui %eq3A : vector<64x64xi1> to vector<64x64xi32>
    %convert_element_type3A_1 = arith.sitofp %convert_element_type3A : vector<64x64xi32> to vector<64x64xf32>
    %mul3A = arith.constant 1.000000e+00 : f32
    %mul3A_2 = vector.broadcast %mul3A : f32 to vector<64x64xf32>
    %mul3A_3 = arith.mulf %mul3A_2, %convert_element_type3A_1 : vector<64x64xf32>
    %get3A = arith.constant 0 : index
    %get3A_4 = arith.constant 0 : index
    %get3A_5 = vector.load %arg1[%get3A, %get3A_4] : memref<64x4096xf32, #tpu.memory_space<vmem>>, vector<64x4096xf32>
    %dot_general3A = arith.constant dense<0.000000e+00> : vector<4096x64xf32>
    %dot_general3A_6 = tpu.matmul %get3A_5, %mul3A_3, %dot_general3A {dimension_numbers = #tpu.dot_dimension_numbers<[0], [0], [1], [1], [0, 1, 1, 1], [], []>, transpose_lhs_hint = false} : vector<64x4096xf32>, vector<64x64xf32>, vector<4096x64xf32> -> vector<4096x64xf32>
    %swap3A = arith.constant 0 : index
    %swap3A_7 = arith.constant 0 : index
    %swap3A_8 = vector.load %arg2[%swap3A, %swap3A_7] : memref<4096x128xf32, #tpu.memory_space<vmem>>, vector<4096x64xf32>
    tpu.vector_store %arg2[%swap3A, %swap3A_7], %dot_general3A_6 {strides = array<i32>} : memref<4096x128xf32, #tpu.memory_space<vmem>>, vector<4096x64xf32>,
    return
  }
  func.func @transform_0(%arg0: i32) -> (i32, i32) {
    %c0_i32 = arith.constant 0 : i32
    %c0_i32_0 = arith.constant 0 : i32
    return %c0_i32, %arg0 : i32, i32
  }
  func.func @transform_1(%arg0: i32) -> (i32, i32) {
    %c0_i32 = arith.constant 0 : i32
    %c0_i32_0 = arith.constant 0 : i32
    return %arg0, %c0_i32 : i32, i32
  }
}

</mosaic_0001>

<sc_bundles>
// kernel: kernel.5.cloned.1.call-start
scs
__scs_entry_jumppad:
0x0: {  	(pc) =	sbr.rel $0x88, $3  }
0x1: {  	(tag) =	ssettag $0x0;
	lr =	simm.s32 $0x1  }
0x2: {  	[smem:$0x3F9D] =	sst lr;
	_ =	strace $0xD0000000  }
0x3: {  	_ = 	snop  }
0x4: {  	_ = 	snop  }
0x5: {  	_ = 	snop  }
0x6: {  	_ = 	snop  }
0x7: {  	_ = 	snop  }
__scs_overlays_trampoline_lowered:
0x8: {  	[smem:$0x3FAC] =	sst s0  }
0x9: {  	[smem:$0x3FAD] =	sst s1  }
0xa: {  	[smem:$0x3FAE] =	sst s2  }
0xb: {  	[smem:$0x3FAF] =	sst s3  }
0xc: {  	[smem:$0x3FB0] =	sst s4  }
0xd: {  	[smem:$0x3FB1] =	sst s5  }
0xe: {  	[smem:$0x3FB2] =	sst s6  }
0xf: {  	[smem:$0x3FB3] =	sst s7  }
0x10: {  	[smem:$0x3FB4] =	sst s8  }
0x11: {  	[smem:$0x3FB5] =	sst s9;
	s0 =	simm.s32 @!p0 $0x0  }
0x12: {  	s1 =	sld [smem:$0x3F9B];
	s0 =	simm.s32 @p0 $0x1  }
0x13: {  	[smem:$0x3FB6] =	sst s0;
	s0 =	simm.s32 @!p1 $0x0  }
0x14: {  	s2 =	sld [smem:$0x3F9A];
	s0 =	simm.s32 @p1 $0x1  }
0x15: {  	[smem:$0x3FB7] =	sst s0;
	s0 =	simm.s32 @!p2 $0x0  }
0x16: {  	s3 =	sld [smem:$0x3FDB];
	s0 =	simm.s32 @p2 $0x1  }
0x17: {  	s4 =	simm.s32 $0x1BF5;
	[smem:$0x3FB9] =	sst s0  }
0x18: {  	s0 =	sld [smem:$0x3F9C];
	_ =	swait.ge [sflag:s4], $0x0  }
0x19: {  	s7 =	sld [smem:$0x3F9D]  }
0x1a: {  	s8 =	sadd.s32 $0xFFFFE003, lr  }
0x1b: {  	s9 =	sadd.s32 $0xFFFFFEF7, lr;
	s5 =	simm.s32 $0xFFFFFFFF;
	p2 =	slt.u32 s8, $0xFFFFF086  }
0x1c: {  	p1 =	slt.u32 s9, $0xF7A;
	s5 =	simm.s32 @!p2 $0x0  }
0x1d: {  	s5 =	simm.s32 @p1 $0x1;
	p0 =	seq.s32 s7, s2  }
0x1e: {  	s7 =	smul.u32 @!p0 $0xF7A, s2;
	p2 =	seq.s32 @!p0 s5, $0x0  }
0x1f: {  	s9 =	smul.u32 $0xF7A, s1;
	s8 =	simm.s32 @!p0 $0x1BF5;
	p2 =	por !p2, p0  }
0x20: {  	[sflag:s8] =	ssyncset.s32 @!p0 $0xFFFFF086;
	s6 =	sadd.s32 @!p0 s3, s7;
	s7 =	simm.s32 @!p0 $0x108  }
0x21: {  	s3 =	sadd.s32 s3, s9;
	s6 =	sadd.s32 @!p0 $0x88, s6;
	s7 =	simm.s32 @p2 $0x1082  }
0x22: {  	[simem:s7], [sflag:s8] =	dma.local @!p0 [hbm:s6], $0xF7A  }
0x23: {  	s9 =	sor.u32 $0xD0000000, s2;
	s6 =	simm.s32 $0x108;
	_ =	swait.ge @!p0 [sflag:s8], $0x0  }
0x24: {  	s3 =	sadd.s32 $0x88, s3;
	s6 =	simm.s32 @!p1 $0x1082;
	[sflag:s4] =	ssyncset.s32 $0xFFFFF086  }
0x25: {  	[simem:s6], [sflag:s4] =	dma.local [hbm:s3], $0xF7A  }
0x26: {  	[smem:$0x3F9D] =	sst s1;
	(tag) =	ssettag s2;
	_ =	strace s9  }
0x27: {  	s1 =	sld [smem:$0x3FAD]  }
0x28: {  	s2 =	sld [smem:$0x3FAE]  }
0x29: {  	s4 =	sld [smem:$0x3FB0]  }
0x2a: {  	p0 =	seq.s32 s5, $0x0;
	s5 =	sld [smem:$0x3FB1]  }
0x2b: {  	s6 =	sld [smem:$0x3FB2]  }
0x2c: {  	s7 =	sld [smem:$0x3FB3]  }
0x2d: {  	s3 =	simm.s32 $0x108;
	s8 =	sld [smem:$0x3FB4]  }
0x2e: {  	s3 =	simm.s32 @!p0 $0x1082;
	s9 =	sld [smem:$0x3FB5]  }
0x2f: {  	lr =	sadd.s32 s0, s3;
	s0 =	sld [smem:$0x3FAC]  }
0x30: {  	s3 =	sld [smem:$0x3FAF]  }
0x31: {  	[smem:$0x3FB8] =	sst s10  }
0x32: {  	s10 =	sld [smem:$0x3FB6];
	_ =	sdelay $0x3  }
0x33: {  	p0 =	seq.s32 s10, $0x1;
	s10 =	sld [smem:$0x3FB8];
	_ =	sdelay $0x3  }
0x34: {  	[smem:$0x3FB8] =	sst s10  }
0x35: {  	s10 =	sld [smem:$0x3FB7];
	_ =	sdelay $0x3  }
0x36: {  	p1 =	seq.s32 s10, $0x1;
	s10 =	sld [smem:$0x3FB8];
	_ =	sdelay $0x3  }
0x37: {  	[smem:$0x3FB8] =	sst s10  }
0x38: {  	s10 =	sld [smem:$0x3FB9]  }
0x39: {  	_ = 	snop;
	(pc) =	sbr.ind lr, $3  }
0x3a: {  	_ = 	snop  }
0x3b: {  	_ = 	snop  }
0x3c: {  	p2 =	seq.s32 s10, $0x1;
	s10 =	sld [smem:$0x3FB8]  }
0x3d: {  	_ =	shalt  }
0x3e: {  	_ =	shalt  }
0x3f: {  	_ =	shalt  }
0x40: {  	_ =	shalt  }
0x41: {  	_ =	shalt  }
0x42: {  	_ =	shalt  }
0x43: {  	_ =	shalt  }
0x44: {  	_ =	shalt  }
0x45: {  	_ =	shalt  }
0x46: {  	_ =	shalt  }
0x47: {  	_ =	shalt  }
0x48: {  	_ =	shalt  }
0x49: {  	_ =	shalt  }
0x4a: {  	_ =	shalt  }
0x4b: {  	_ =	shalt  }
0x4c: {  	_ =	shalt  }
0x4d: {  	_ =	shalt  }
0x4e: {  	_ =	shalt  }
0x4f: {  	_ =	shalt  }
0x50: {  	_ =	shalt  }
0x51: {  	_ =	shalt  }
0x52: {  	_ =	shalt  }
0x53: {  	_ =	shalt  }
0x54: {  	_ =	shalt  }
0x55: {  	_ =	shalt  }
0x56: {  	_ =	shalt  }
0x57: {  	_ =	shalt  }
0x58: {  	_ =	shalt  }
0x59: {  	_ =	shalt  }
0x5a: {  	_ =	shalt  }
0x5b: {  	_ =	shalt  }
0x5c: {  	_ =	shalt  }
0x5d: {  	_ =	shalt  }
0x5e: {  	_ =	shalt  }
0x5f: {  	_ =	shalt  }
0x60: {  	_ =	shalt  }
0x61: {  	_ =	shalt  }
0x62: {  	_ =	shalt  }
0x63: {  	_ =	shalt  }
0x64: {  	_ =	shalt  }
0x65: {  	_ =	shalt  }
0x66: {  	_ =	shalt  }
0x67: {  	_ =	shalt  }
0x68: {  	_ =	shalt  }
0x69: {  	_ =	shalt  }
0x6a: {  	_ =	shalt  }
0x6b: {  	_ =	shalt  }
0x6c: {  	_ =	shalt  }
0x6d: {  	_ =	shalt  }
0x6e: {  	_ =	shalt  }
0x6f: {  	_ =	shalt  }
0x70: {  	_ =	shalt  }
0x71: {  	_ =	shalt  }
0x72: {  	_ =	shalt  }
0x73: {  	_ =	shalt  }
0x74: {  	_ =	shalt  }
0x75: {  	_ =	shalt  }
0x76: {  	_ =	shalt  }
0x77: {  	_ =	shalt  }
0x78: {  	_ =	shalt  }
0x79: {  	_ =	shalt  }
0x7a: {  	_ =	shalt  }
0x7b: {  	_ =	shalt  }
0x7c: {  	_ =	shalt  }
0x7d: {  	_ =	shalt  }
0x7e: {  	_ =	shalt  }
0x7f: {  	_ =	shalt  }
0x80: {  	_ =	shalt  }
0x81: {  	_ =	shalt  }
0x82: {  	_ =	shalt  }
0x83: {  	_ =	shalt  }
0x84: {  	_ =	shalt  }
0x85: {  	_ =	shalt  }
0x86: {  	_ =	shalt  }
0x87: {  	_ =	shalt  }
.Lfunc_end0:
.L_simem_size_0:
called_computation_lowered:
.L_overlay_start_0:
0x88: {  	s2 =	sld [smem:$0x3FD9]  }
0x89: {  	s3 =	sld [smem:$0x3FFE];
	_ =	sdelay $0x1  }
0x8a: {  	s1 =	srdreg.scid  }
0x8b: {  	s0 =	sand.u32 $0x1, s1  }
0x8c: {  	s17 =	sshll.u32 s0, $0xA;
	s2 =	sadd.s32 s3, s2  }
0x8d: {  	s2 =	sadd.s32 s2, s17  }
0x8e: {  	[smem:$0x3FC4] =	sst s2  }
0x8f: {  	_ = 	snop  }
0x90: {  	s2 =	sld [smem:$0x3FD0];
	(tm) =	ssettm $0x1  }
0x91: {  	s18 =	sld [smem:$0x3FFB];
	_ =	sdelay $0x3  }
0x92: {  	_ =	strace s18  }
0x93: {  	s3 =	sld [smem:$0x3FFC];
	_ =	sdelay $0x3  }
0x94: {  	_ =	strace s3  }
0x95: {  	s3 =	sld [smem:$0x3FFD];
	_ =	sdelay $0x3  }
0x96: {  	_ =	strace s3  }
0x97: {  	_ =	strace $0x8FFFFFFF  }
0x98: {  	s19 =	sld [smem:$0x3FDB];
	_ =	sdelay $0x1  }
0x99: {  	s4 =	simm.s32 $_scs_section_size  }
0x9a: {  	s5 =	simm.s32 $_size__tile_overlayer_lowered;
	s6 =	simm.s32 $_tile_overlayer_lowered  }
0x9b: {  	s22 =	simm.s32 $0x1BFF;
	s21 =	sshll.u32 s6, $0x1;
	s3 =	sadd.s32 s4, s19  }
0x9c: {  	s7 =	simm.s32 $0x0;
	s20 =	sshll.u32 s5, $0x1;
	s5 =	sadd.s32 s21, s3  }
0x9d: {  	[timem:s7], [sflag:s22] =	dma.local [hbm:s5], s20  }
0x9e: {  	_ =	swait.ge [sflag:s22], s20  }
0x9f: {  	s4 =	ssub.s32 $0x0, s20;
	[sflag:s22] =	ssyncset.done $0x0  }
0xa0: {  	[sflag:s22] =	ssyncadd.s32 s4;
	_ =	sdelay $0x1  }
0xa1: {  	s23 =	simm.s32 $0x1B8B  }
0xa2: {  	_ =	swait.ge [sflag:s23], $0x1  }
0xa3: {  	[sflag:s23] =	ssyncset.done $0x0  }
0xa4: {  	s25 =	simm.s32 $0x1B8E;
	s24 =	sld [smem:$0x3FFE];
	[sflag:s23] =	ssyncadd.s32 $0xFFFFFFFF  }
0xa5: {  	s26 =	simm.s32 $execute0_lowered;
	[smem:$0x3FD2] =	sst s25  }
0xa6: {  	s5 =	sshll.u32 s26, $0x1;
	_ =	strace $0x80000046;
	[dreg:$0x1] =	wrdreg $0xFFFFFFFF  }
0xa7: {  	s28 =	simm.s32 $_size_execute0_lowered;
	s3 =	sadd.s32 s3, s5;
	[dreg:$0x0] =	wrdreg $0x0  }
0xa8: {  	s5 =	sshll.u32 s28, $0x1;
	[dreg:$0x2] =	wrdreg s3  }
0xa9: {  	[dreg:$0x3] =	wrdreg s5  }
0xaa: {  	[dreg:$0x4] =	wrdreg $0xC0  }
0xab: {  	_ =	task [dreg:s7], $0x5FFFF  }
0xac: {  	[dreg:$0x1] =	wrdreg $0xFFFFFFFF  }
0xad: {  	[dreg:$0x0] =	wrdreg $0x60  }
0xae: {  	[dreg:$0x2] =	wrdreg s24  }
0xaf: {  	[dreg:$0x3] =	wrdreg s2  }
0xb0: {  	[dreg:$0x4] =	wrdreg $0x9  }
0xb1: {  	_ =	task.clear_ibuf [dreg:s7], $0x5FFFF;
	_ =	strace $0x90000046  }
0xb2: {  	s29 =	simm.s32 $0x9;
	_ =	strace $0x80000048  }
0xb3: {  	_ =	swait.ge [sflag:s29], $0x1  }
0xb4: {  	[sflag:s29] =	ssyncadd.s32 $0xFFFFFFFF  }
0xb5: {  	_ =	strace $0x90000048  }
0xb6: {  	_ =	sfence  }
0xb7: {  	s30 =	sld [smem:$0x0];
	_ =	sdelay $0x2  }
0xb8: {  	s31 =	sshll.u32 s1, $0xD;
	s1 =	sshrl.u32 s1, $0x2  }
0xb9: {  	s3 =	sand.u32 $0x4000, s31;
	s1 =	sadd.s32 s1, s30  }
0xba: {  	s0 =	sor.u32 s3, s0;
	s1 =	sshll.u32 s1, $0x11  }
0xbb: {  	s0 =	sor.u32 s1, s0  }
0xbc: {  	s0 =	sadd.s32 $0x8F2B, s0  }
0xbd: {  	[sflag:s0] =	ssyncadd.remote.s32 $0x1  }
0xbe: {  	_ =	sfence.sel $0xFFFF  }
0xbf: {  	[dreg:$0x0] =	wrdreg $0xFFFFFFFF;
	(pc) =	sbr.abs _section_cstart, $3  }
0xc0: {  	[dreg:$0x1] =	wrdreg $0xFFFFFFFF  }
0xc1: {  	_ =	task.clear_ibuf [dreg:s7], $0x2FFFF;
	_ =	strace $0x9FFFFFFF  }
0xc2: {  	(tm) =	ssettm $0x7FFFFFFF  }
0xc3: {  	_ =	shalt  }
tec
execute0_lowered:
.L_overlay_start_1:
0x0: {  	(tag) =	ssettag $0x1  }
0x1: {  	s0 =	rddreg [dreg:$0x0];
	s1 =	srdreg.scid  }
0x2: {  	s2 =	rddreg [dreg:$0x1];
	s3 =	stileid.u32  }
0x3: {  	s7 =	simm.s32 $0x2;
	s8 =	simm.s32 $0x32;
	s11 =	simm.s32 $0x2C00  }
0x4: {  	s13 =	simm.s32 $0x4800;
	s15 =	simm.s32 $0x6400;
	s17 =	simm.s32 $0x8000  }
0x5: {  	s19 =	simm.s32 $0x9C00;
	s21 =	simm.s32 $0xB800;
	s23 =	simm.s32 $0xD400  }
0x6: {  	s25 =	simm.s32 $0xF000;
	s28 =	simm.s32 $0x10C00;
	s30 =	simm.s32 $0x12800  }
0x7: {  	s9 =	simm.s32 $0x16000;
	s12 =	simm.s32 $0x17C00;
	s16 =	simm.s32 $0x19800  }
0x8: {  	s20 =	simm.s32 $0x1B400;
	s22 =	simm.s32 $0x1;
	s14 =	simm.s32 $0xF00  }
0x9: {  	s18 =	simm.s32 $0xF80;
	s24 =	simm.s32 $0x1D000;
	s1 =	sand.u32 $0x1, s1  }
0xa: {  	s26 =	simm.s32 $0x0;
	s4 =	sshll.u32 s3, $0xA;
	s5 =	sshll.u32 s1, $0x9  }
0xb: {  	s3 =	simm.s32 $0x0;
	s1 =	ssub.s32 $0x2, s1;
	s4 =	sor.u32 s5, s4  }
0xc: {  	[smem:$0x7FF] =	sst s3;
	s31 =	sshrl.u32 s1, $0x1;
	s0 =	sadd.s32 s4, s0  }
0xd: {  	_ =	strace $0x80000047;
	s1 =	ssub.s32 s1, s31;
	s4 =	sadd.s32 $0x600, s0  }
0xe: {  	s5 =	sadd.s32 $0x4600, s0;
	s6 =	smax.u32 s1, $0x1;
	s0 =	simm.s32 $0x14400  }
.LBB2_1:
0xf: {  	[tilespmem:s3], [sflag:$0x2] =	stream.linear.gather [hbm4b:s4+s3], $0x1000, $0x38;
	[tilespmem:$0x1E000] =	vst v63  }
0x10: {  	_ =	swait.ge [sflag:s7], $0x1000  }
0x11: {  	[sflag:s7] =	ssyncset.done $0x0  }
0x12: {  	s1 =	simm.s32 $0x1000;
	[sflag:s7] =	ssyncadd.s32 $0xFFFFF000  }
0x13: {  	[tilespmem:s1], [sflag:$0x1] =	stream.indirect.gather [hbm4b:s2+s8], $0x80, s3, s8, $0xb8;
	[tilespmem:$0x1E000] =	vst v63  }
0x14: {  	s10 =	simm.s32 $0x80  }
0x15: {  	[tilespmem:s11], [sflag:$0x1] =	stream.indirect.gather [hbm4b:s2+s8], $0x80, s10, s8, $0xb8;
	[tilespmem:$0x1E000] =	vst v63  }
0x16: {  	s10 =	simm.s32 $0x100  }
0x17: {  	[tilespmem:s13], [sflag:$0x1] =	stream.indirect.gather [hbm4b:s2+s8], $0x80, s10, s8, $0xb8;
	[tilespmem:$0x1E000] =	vst v63  }
0x18: {  	s10 =	simm.s32 $0x180  }
0x19: {  	[tilespmem:s15], [sflag:$0x1] =	stream.indirect.gather [hbm4b:s2+s8], $0x80, s10, s8, $0xb8;
	[tilespmem:$0x1E000] =	vst v63  }
0x1a: {  	s10 =	simm.s32 $0x200  }
0x1b: {  	[tilespmem:s17], [sflag:$0x1] =	stream.indirect.gather [hbm4b:s2+s8], $0x80, s10, s8, $0xb8;
	[tilespmem:$0x1E000] =	vst v63  }
0x1c: {  	s10 =	simm.s32 $0x280  }
0x1d: {  	[tilespmem:s19], [sflag:$0x1] =	stream.indirect.gather [hbm4b:s2+s8], $0x80, s10, s8, $0xb8;
	[tilespmem:$0x1E000] =	vst v63  }
0x1e: {  	s10 =	simm.s32 $0x300  }
0x1f: {  	[tilespmem:s21], [sflag:$0x1] =	stream.indirect.gather [hbm4b:s2+s8], $0x80, s10, s8, $0xb8;
	[tilespmem:$0x1E000] =	vst v63  }
0x20: {  	s10 =	simm.s32 $0x380  }
0x21: {  	[tilespmem:s23], [sflag:$0x1] =	stream.indirect.gather [hbm4b:s2+s8], $0x80, s10, s8, $0xb8;
	[tilespmem:$0x1E000] =	vst v63  }
0x22: {  	s10 =	simm.s32 $0x400  }
0x23: {  	[tilespmem:s25], [sflag:$0x1] =	stream.indirect.gather [hbm4b:s2+s8], $0x80, s10, s8, $0xb8;
	[tilespmem:$0x1E000] =	vst v63  }
0x24: {  	s10 =	simm.s32 $0x480  }
0x25: {  	[tilespmem:s28], [sflag:$0x1] =	stream.indirect.gather [hbm4b:s2+s8], $0x80, s10, s8, $0xb8;
	[tilespmem:$0x1E000] =	vst v63  }
0x26: {  	s10 =	simm.s32 $0x500  }
0x27: {  	[tilespmem:s30], [sflag:$0x1] =	stream.indirect.gather [hbm4b:s2+s8], $0x80, s10, s8, $0xb8;
	[tilespmem:$0x1E000] =	vst v63  }
0x28: {  	s10 =	simm.s32 $0x580  }
0x29: {  	[tilespmem:s0], [sflag:$0x1] =	stream.indirect.gather [hbm4b:s2+s8], $0x80, s10, s8, $0xb8;
	[tilespmem:$0x1E000] =	vst v63  }
0x2a: {  	s10 =	simm.s32 $0x600  }
0x2b: {  	[tilespmem:s9], [sflag:$0x1] =	stream.indirect.gather [hbm4b:s2+s8], $0x80, s10, s8, $0xb8;
	[tilespmem:$0x1E000] =	vst v63  }
0x2c: {  	s10 =	simm.s32 $0x680  }
0x2d: {  	[tilespmem:s12], [sflag:$0x1] =	stream.indirect.gather [hbm4b:s2+s8], $0x80, s10, s8, $0xb8;
	[tilespmem:$0x1E000] =	vst v63  }
0x2e: {  	s10 =	simm.s32 $0x700  }
0x2f: {  	[tilespmem:s16], [sflag:$0x1] =	stream.indirect.gather [hbm4b:s2+s8], $0x80, s10, s8, $0xb8;
	[tilespmem:$0x1E000] =	vst v63  }
0x30: {  	s10 =	simm.s32 $0x780  }
0x31: {  	[tilespmem:s20], [sflag:$0x1] =	stream.indirect.gather [hbm4b:s2+s8], $0x80, s10, s8, $0xb8;
	[tilespmem:$0x1E000] =	vst v63  }
0x32: {  	_ =	swait.ge [sflag:s22], $0x1900  }
0x33: {  	[sflag:s22] =	ssyncset.done $0x0  }
0x34: {  	[sflag:s22] =	ssyncadd.s32 $0xFFFFE700  }
0x35: {  	_ =	swait.ge [sflag:s22], $0x1900  }
0x36: {  	[sflag:s22] =	ssyncset.done $0x0  }
0x37: {  	[sflag:s22] =	ssyncadd.s32 $0xFFFFE700  }
0x38: {  	_ =	swait.ge [sflag:s22], $0x1900  }
0x39: {  	[sflag:s22] =	ssyncset.done $0x0  }
0x3a: {  	[sflag:s22] =	ssyncadd.s32 $0xFFFFE700  }
0x3b: {  	_ =	swait.ge [sflag:s22], $0x1900  }
0x3c: {  	[sflag:s22] =	ssyncset.done $0x0  }
0x3d: {  	[sflag:s22] =	ssyncadd.s32 $0xFFFFE700  }
0x3e: {  	_ =	swait.ge [sflag:s22], $0x1900  }
0x3f: {  	[sflag:s22] =	ssyncset.done $0x0  }
0x40: {  	[sflag:s22] =	ssyncadd.s32 $0xFFFFE700  }
0x41: {  	_ =	swait.ge [sflag:s22], $0x1900  }
0x42: {  	[sflag:s22] =	ssyncset.done $0x0  }
0x43: {  	[sflag:s22] =	ssyncadd.s32 $0xFFFFE700  }
0x44: {  	_ =	swait.ge [sflag:s22], $0x1900  }
0x45: {  	[sflag:s22] =	ssyncset.done $0x0  }
0x46: {  	[sflag:s22] =	ssyncadd.s32 $0xFFFFE700  }
0x47: {  	_ =	swait.ge [sflag:s22], $0x1900  }
0x48: {  	[sflag:s22] =	ssyncset.done $0x0  }
0x49: {  	s29 =	simm.s32 $0x1020;
	s31 =	simm.s32 $0x0;
	[sflag:s22] =	ssyncadd.s32 $0xFFFFE700  }
.LBB2_2:
0x4a: {  	v2 =	vmov s29;
	_ =	sdelay $0x3  }
0x4b: {  	s10 =	simm.s32 $0x0  }
0x4c: {  	v0 =	vld.idx.msk [tilespmem:v2+s10+$0x10 ss:$0x1], $0xffff  }
0x4d: {  	v3 =	vld.idx.msk [tilespmem:v2+s10+$0xFFFFFFE0 ss:$0x1], $0xffff  }
0x4e: {  	v1 =	vimm.f32 $0.0e+00;
	v4 =	vld.idx.msk [tilespmem:v2+s10+$0xFFFFFFF0 ss:$0x1], $0xffff  }
0x4f: {  	s1 =	simm.s32 $0x200;
	v6 =	vimm.f32 $0.0e+00;
	v7 =	vimm.f32 $0.0e+00;
	v8 =	vimm.f32 $0.0e+00;
	v5 =	vld.idx.msk [tilespmem:v2+s10+$0x0 ss:$0x1], $0xffff  }
.LBB2_3:
0x50: {  	p0 =	sne.s32 s1, $0x6200  }
.Ltmp0:
0x51: {  	s10 =	sshra.s32 s1, $0x2;
	s1 =	sadd.s32 $0x200, s1;
	(pc) =	sbr.rel @p0 .LBB2_3-.Ltmp0, $4  }
0x52: {  	v1 =	vadd.f32 v0, v1;
	v0 =	vld.idx.msk [tilespmem:v2+s10+$0x10 ss:$0x1], $0xffff  }
0x53: {  	v6 =	vadd.f32 v3, v6;
	v3 =	vld.idx.msk [tilespmem:v2+s10+$0xFFFFFFE0 ss:$0x1], $0xffff  }
0x54: {  	v7 =	vadd.f32 v4, v7;
	v4 =	vld.idx.msk [tilespmem:v2+s10+$0xFFFFFFF0 ss:$0x1], $0xffff  }
0x55: {  	v8 =	vadd.f32 v5, v8;
	v5 =	vld.idx.msk [tilespmem:v2+s10+$0x0 ss:$0x1], $0xffff  }
0x56: {  	_ = 	snop  }
0x57: {  	v0 =	vadd.f32 v0, v1  }
0x58: {  	s1 =	sshll.u32 s31, $0x7;
	s31 =	sadd.s32 $0x1, s31;
	v2 =	vadd.f32 v3, v6  }
0x59: {  	p0 =	sne.s32 s31, $0x8;
	v60 =	vadd.f32 v4, v7;
	v0 =	vmul.f32 $1.999999960e-02, v0  }
.Ltmp1:
0x5a: {  	s1 =	sand.u32 $0x3FFFFF80, s1;
	v61 =	vadd.f32 v5, v8;
	v2 =	vmul.f32 $1.999999960e-02, v2;
	(pc) =	sbr.rel @p0 .LBB2_2-.Ltmp1, $4  }
0x5b: {  	v62 =	vmul.f32 $1.999999960e-02, v60;
	[tilespmem:s1+$0x1D030] =	vst v0  }
0x5c: {  	[tilespmem:s1+$0x1D000] =	vst v2;
	v63 =	vmul.f32 $1.999999960e-02, v61  }
0x5d: {  	[tilespmem:s1+$0x1D010] =	vst v62  }
0x5e: {  	s29 =	sadd.s32 $0x1C00, s29;
	[tilespmem:s1+$0x1D020] =	vst v63  }
0x5f: {  	s29 =	simm.s32 $0x1000;
	s1 =	simm.s32 $0x800  }
0x60: {  	[tilespmem:s29], [sflag:$0x1] =	stream.indirect.gather [hbm4b:s2+s8], $0x80, s1, s8, $0xb8;
	[tilespmem:$0x1E000] =	vst v63  }
0x61: {  	s10 =	simm.s32 $0x880  }
0x62: {  	[tilespmem:s11], [sflag:$0x1] =	stream.indirect.gather [hbm4b:s2+s8], $0x80, s10, s8, $0xb8;
	[tilespmem:$0x1E000] =	vst v63  }
0x63: {  	s10 =	simm.s32 $0x900  }
0x64: {  	[tilespmem:s13], [sflag:$0x1] =	stream.indirect.gather [hbm4b:s2+s8], $0x80, s10, s8, $0xb8;
	[tilespmem:$0x1E000] =	vst v63  }
0x65: {  	s10 =	simm.s32 $0x980  }
0x66: {  	[tilespmem:s15], [sflag:$0x1] =	stream.indirect.gather [hbm4b:s2+s8], $0x80, s10, s8, $0xb8;
	[tilespmem:$0x1E000] =	vst v63  }
0x67: {  	s10 =	simm.s32 $0xA00  }
0x68: {  	[tilespmem:s17], [sflag:$0x1] =	stream.indirect.gather [hbm4b:s2+s8], $0x80, s10, s8, $0xb8;
	[tilespmem:$0x1E000] =	vst v63  }
0x69: {  	s10 =	simm.s32 $0xA80  }
0x6a: {  	[tilespmem:s19], [sflag:$0x1] =	stream.indirect.gather [hbm4b:s2+s8], $0x80, s10, s8, $0xb8;
	[tilespmem:$0x1E000] =	vst v63  }
0x6b: {  	s10 =	simm.s32 $0xB00  }
0x6c: {  	[tilespmem:s21], [sflag:$0x1] =	stream.indirect.gather [hbm4b:s2+s8], $0x80, s10, s8, $0xb8;
	[tilespmem:$0x1E000] =	vst v63  }
0x6d: {  	s10 =	simm.s32 $0xB80  }
0x6e: {  	[tilespmem:s23], [sflag:$0x1] =	stream.indirect.gather [hbm4b:s2+s8], $0x80, s10, s8, $0xb8;
	[tilespmem:$0x1E000] =	vst v63  }
0x6f: {  	_ =	swait.ge [sflag:s22], $0x1900  }
0x70: {  	[sflag:s22] =	ssyncset.done $0x0  }
0x71: {  	[sflag:s22] =	ssyncadd.s32 $0xFFFFE700  }
0x72: {  	_ =	swait.ge [sflag:s22], $0x1900  }
0x73: {  	[sflag:s22] =	ssyncset.done $0x0  }
0x74: {  	[sflag:s22] =	ssyncadd.s32 $0xFFFFE700  }
0x75: {  	_ =	swait.ge [sflag:s22], $0x1900  }
0x76: {  	[sflag:s22] =	ssyncset.done $0x0  }
0x77: {  	[sflag:s22] =	ssyncadd.s32 $0xFFFFE700  }
0x78: {  	_ =	swait.ge [sflag:s22], $0x1900  }
0x79: {  	[sflag:s22] =	ssyncset.done $0x0  }
0x7a: {  	[sflag:s22] =	ssyncadd.s32 $0xFFFFE700  }
0x7b: {  	_ =	swait.ge [sflag:s22], $0x1900  }
0x7c: {  	[sflag:s22] =	ssyncset.done $0x0  }
0x7d: {  	[sflag:s22] =	ssyncadd.s32 $0xFFFFE700  }
0x7e: {  	_ =	swait.ge [sflag:s22], $0x1900  }
0x7f: {  	[sflag:s22] =	ssyncset.done $0x0  }
0x80: {  	[sflag:s22] =	ssyncadd.s32 $0xFFFFE700  }
0x81: {  	_ =	swait.ge [sflag:s22], $0x1900  }
0x82: {  	[sflag:s22] =	ssyncset.done $0x0  }
0x83: {  	[sflag:s22] =	ssyncadd.s32 $0xFFFFE700  }
0x84: {  	_ =	swait.ge [sflag:s22], $0x1900  }
0x85: {  	[sflag:s22] =	ssyncset.done $0x0  }
0x86: {  	s31 =	simm.s32 $0x8;
	[sflag:s22] =	ssyncadd.s32 $0xFFFFE700  }
.LBB2_6:
0x87: {  	s1 =	sshrl.u32 s31, $0x3  }
0x88: {  	s1 =	smul.u32 $0x38000, s1;
	_ =	sdelay $0x1  }
0x89: {  	s1 =	sshra.s32 s1, $0x2  }
0x8a: {  	s1 =	sadd.s32 s1, s29  }
0x8b: {  	v2 =	vmov s1;
	_ =	sdelay $0x3  }
0x8c: {  	s10 =	simm.s32 $0x0  }
0x8d: {  	v0 =	vld.idx.msk [tilespmem:v2+s10+$0x30 ss:$0x1], $0xffff  }
0x8e: {  	v3 =	vld.idx.msk [tilespmem:v2+s10+$0x0 ss:$0x1], $0xffff  }
0x8f: {  	v1 =	vimm.f32 $0.0e+00;
	v4 =	vld.idx.msk [tilespmem:v2+s10+$0x10 ss:$0x1], $0xffff  }
0x90: {  	v6 =	vimm.f32 $0.0e+00;
	v7 =	vimm.f32 $0.0e+00;
	v8 =	vimm.f32 $0.0e+00;
	s1 =	simm.s32 $0x200;
	v5 =	vld.idx.msk [tilespmem:v2+s10+$0x20 ss:$0x1], $0xffff  }
.LBB2_7:
0x91: {  	p0 =	sne.s32 s1, $0x6200  }
.Ltmp2:
0x92: {  	s10 =	sshra.s32 s1, $0x2;
	s1 =	sadd.s32 $0x200, s1;
	(pc) =	sbr.rel @p0 .LBB2_7-.Ltmp2, $4  }
0x93: {  	v1 =	vadd.f32 v0, v1;
	v0 =	vld.idx.msk [tilespmem:v2+s10+$0x30 ss:$0x1], $0xffff  }
0x94: {  	v6 =	vadd.f32 v3, v6;
	v3 =	vld.idx.msk [tilespmem:v2+s10+$0x0 ss:$0x1], $0xffff  }
0x95: {  	v7 =	vadd.f32 v4, v7;
	v4 =	vld.idx.msk [tilespmem:v2+s10+$0x10 ss:$0x1], $0xffff  }
0x96: {  	v8 =	vadd.f32 v5, v8;
	v5 =	vld.idx.msk [tilespmem:v2+s10+$0x20 ss:$0x1], $0xffff  }
0x97: {  	_ = 	snop  }
0x98: {  	v0 =	vadd.f32 v0, v1  }
0x99: {  	s1 =	sshll.u32 s31, $0x7;
	s31 =	sadd.s32 $0x1, s31;
	v2 =	vadd.f32 v3, v6  }
0x9a: {  	p0 =	sne.s32 s31, $0x10;
	v60 =	vadd.f32 v4, v7;
	v0 =	vmul.f32 $1.999999960e-02, v0  }
.Ltmp3:
0x9b: {  	s1 =	sand.u32 $0x3FFFFF80, s1;
	v61 =	vadd.f32 v5, v8;
	v2 =	vmul.f32 $1.999999960e-02, v2;
	(pc) =	sbr.rel @p0 .LBB2_6-.Ltmp3, $4  }
0x9c: {  	v62 =	vmul.f32 $1.999999960e-02, v60;
	[tilespmem:s1+$0x1D030] =	vst v0  }
0x9d: {  	[tilespmem:s1+$0x1D000] =	vst v2;
	v63 =	vmul.f32 $1.999999960e-02, v61  }
0x9e: {  	[tilespmem:s1+$0x1D010] =	vst v62  }
0x9f: {  	s29 =	sadd.s32 $0x1C00, s29;
	[tilespmem:s1+$0x1D020] =	vst v63  }
0xa0: {  	s1 =	simm.s32 $0xC00  }
0xa1: {  	[tilespmem:s25], [sflag:$0x1] =	stream.indirect.gather [hbm4b:s2+s8], $0x80, s1, s8, $0xb8;
	[tilespmem:$0x1E000] =	vst v63  }
0xa2: {  	s10 =	simm.s32 $0xC80  }
0xa3: {  	[tilespmem:s28], [sflag:$0x1] =	stream.indirect.gather [hbm4b:s2+s8], $0x80, s10, s8, $0xb8;
	[tilespmem:$0x1E000] =	vst v63  }
0xa4: {  	s10 =	simm.s32 $0xD00  }
0xa5: {  	[tilespmem:s30], [sflag:$0x1] =	stream.indirect.gather [hbm4b:s2+s8], $0x80, s10, s8, $0xb8;
	[tilespmem:$0x1E000] =	vst v63  }
0xa6: {  	s10 =	simm.s32 $0xD80  }
0xa7: {  	[tilespmem:s0], [sflag:$0x1] =	stream.indirect.gather [hbm4b:s2+s8], $0x80, s10, s8, $0xb8;
	[tilespmem:$0x1E000] =	vst v63  }
0xa8: {  	s10 =	simm.s32 $0xE00  }
0xa9: {  	[tilespmem:s9], [sflag:$0x1] =	stream.indirect.gather [hbm4b:s2+s8], $0x80, s10, s8, $0xb8;
	[tilespmem:$0x1E000] =	vst v63  }
0xaa: {  	s10 =	simm.s32 $0xE80  }
0xab: {  	[tilespmem:s12], [sflag:$0x1] =	stream.indirect.gather [hbm4b:s2+s8], $0x80, s10, s8, $0xb8;
	[tilespmem:$0x1E000] =	vst v63  }
0xac: {  	_ = 	snop  }
0xad: {  	[tilespmem:s16], [sflag:$0x1] =	stream.indirect.gather [hbm4b:s2+s8], $0x80, s14, s8, $0xb8;
	[tilespmem:$0x1E000] =	vst v63  }
0xae: {  	_ = 	snop  }
0xaf: {  	[tilespmem:s20], [sflag:$0x1] =	stream.indirect.gather [hbm4b:s2+s8], $0x80, s18, s8, $0xb8;
	[tilespmem:$0x1E000] =	vst v63  }
0xb0: {  	_ =	swait.ge [sflag:s22], $0x1900  }
0xb1: {  	[sflag:s22] =	ssyncset.done $0x0  }
0xb2: {  	[sflag:s22] =	ssyncadd.s32 $0xFFFFE700  }
0xb3: {  	_ =	swait.ge [sflag:s22], $0x1900  }
0xb4: {  	[sflag:s22] =	ssyncset.done $0x0  }
0xb5: {  	[sflag:s22] =	ssyncadd.s32 $0xFFFFE700  }
0xb6: {  	_ =	swait.ge [sflag:s22], $0x1900  }
0xb7: {  	[sflag:s22] =	ssyncset.done $0x0  }
0xb8: {  	[sflag:s22] =	ssyncadd.s32 $0xFFFFE700  }
0xb9: {  	_ =	swait.ge [sflag:s22], $0x1900  }
0xba: {  	[sflag:s22] =	ssyncset.done $0x0  }
0xbb: {  	[sflag:s22] =	ssyncadd.s32 $0xFFFFE700  }
0xbc: {  	_ =	swait.ge [sflag:s22], $0x1900  }
0xbd: {  	[sflag:s22] =	ssyncset.done $0x0  }
0xbe: {  	[sflag:s22] =	ssyncadd.s32 $0xFFFFE700  }
0xbf: {  	_ =	swait.ge [sflag:s22], $0x1900  }
0xc0: {  	[sflag:s22] =	ssyncset.done $0x0  }
0xc1: {  	[sflag:s22] =	ssyncadd.s32 $0xFFFFE700  }
0xc2: {  	_ =	swait.ge [sflag:s22], $0x1900  }
0xc3: {  	[sflag:s22] =	ssyncset.done $0x0  }
0xc4: {  	[sflag:s22] =	ssyncadd.s32 $0xFFFFE700  }
0xc5: {  	_ =	swait.ge [sflag:s22], $0x1900  }
0xc6: {  	[sflag:s22] =	ssyncset.done $0x0  }
0xc7: {  	s29 =	simm.s32 $0x10;
	s31 =	simm.s32 $0x1000;
	[sflag:s22] =	ssyncadd.s32 $0xFFFFE700  }
.LBB2_10:
0xc8: {  	s1 =	sshll.u32 s29, $0x1C  }
0xc9: {  	s1 =	sshra.s32 s1, $0x1F  }
0xca: {  	s1 =	sand.u32 $0xE000, s1  }
0xcb: {  	s1 =	sadd.s32 s1, s31  }
0xcc: {  	v2 =	vmov s1;
	_ =	sdelay $0x3  }
0xcd: {  	s10 =	simm.s32 $0x0  }
0xce: {  	v0 =	vld.idx.msk [tilespmem:v2+s10+$0x30 ss:$0x1], $0xffff  }
0xcf: {  	v3 =	vld.idx.msk [tilespmem:v2+s10+$0x0 ss:$0x1], $0xffff  }
0xd0: {  	v1 =	vimm.f32 $0.0e+00;
	v4 =	vld.idx.msk [tilespmem:v2+s10+$0x10 ss:$0x1], $0xffff  }
0xd1: {  	v6 =	vimm.f32 $0.0e+00;
	v7 =	vimm.f32 $0.0e+00;
	v8 =	vimm.f32 $0.0e+00;
	s1 =	simm.s32 $0x200;
	v5 =	vld.idx.msk [tilespmem:v2+s10+$0x20 ss:$0x1], $0xffff  }
.LBB2_11:
0xd2: {  	p0 =	sne.s32 s1, $0x6200  }
.Ltmp4:
0xd3: {  	s10 =	sshra.s32 s1, $0x2;
	s1 =	sadd.s32 $0x200, s1;
	(pc) =	sbr.rel @p0 .LBB2_11-.Ltmp4, $4  }
0xd4: {  	v1 =	vadd.f32 v0, v1;
	v0 =	vld.idx.msk [tilespmem:v2+s10+$0x30 ss:$0x1], $0xffff  }
0xd5: {  	v6 =	vadd.f32 v3, v6;
	v3 =	vld.idx.msk [tilespmem:v2+s10+$0x0 ss:$0x1], $0xffff  }
0xd6: {  	v7 =	vadd.f32 v4, v7;
	v4 =	vld.idx.msk [tilespmem:v2+s10+$0x10 ss:$0x1], $0xffff  }
0xd7: {  	v8 =	vadd.f32 v5, v8;
	v5 =	vld.idx.msk [tilespmem:v2+s10+$0x20 ss:$0x1], $0xffff  }
0xd8: {  	_ = 	snop  }
0xd9: {  	v0 =	vadd.f32 v0, v1  }
0xda: {  	s1 =	sshll.u32 s29, $0x7;
	s29 =	sadd.s32 $0x1, s29;
	v2 =	vadd.f32 v3, v6  }
0xdb: {  	p0 =	sne.s32 s29, $0x18;
	v60 =	vadd.f32 v4, v7;
	v0 =	vmul.f32 $1.999999960e-02, v0  }
.Ltmp5:
0xdc: {  	s1 =	sand.u32 $0x3FFFFF80, s1;
	v61 =	vadd.f32 v5, v8;
	v2 =	vmul.f32 $1.999999960e-02, v2;
	(pc) =	sbr.rel @p0 .LBB2_10-.Ltmp5, $4  }
0xdd: {  	v62 =	vmul.f32 $1.999999960e-02, v60;
	[tilespmem:s1+$0x1D030] =	vst v0  }
0xde: {  	[tilespmem:s1+$0x1D000] =	vst v2;
	v63 =	vmul.f32 $1.999999960e-02, v61  }
0xdf: {  	[tilespmem:s1+$0x1D010] =	vst v62  }
0xe0: {  	s31 =	sadd.s32 $0x1C00, s31;
	[tilespmem:s1+$0x1D020] =	vst v63  }
0xe1: {  	_ =	swait.ge [sflag:s22], $0x1900  }
0xe2: {  	[sflag:s22] =	ssyncset.done $0x0  }
0xe3: {  	[sflag:s22] =	ssyncadd.s32 $0xFFFFE700  }
0xe4: {  	_ =	swait.ge [sflag:s22], $0x1900  }
0xe5: {  	[sflag:s22] =	ssyncset.done $0x0  }
0xe6: {  	[sflag:s22] =	ssyncadd.s32 $0xFFFFE700  }
0xe7: {  	_ =	swait.ge [sflag:s22], $0x1900  }
0xe8: {  	[sflag:s22] =	ssyncset.done $0x0  }
0xe9: {  	[sflag:s22] =	ssyncadd.s32 $0xFFFFE700  }
0xea: {  	_ =	swait.ge [sflag:s22], $0x1900  }
0xeb: {  	[sflag:s22] =	ssyncset.done $0x0  }
0xec: {  	[sflag:s22] =	ssyncadd.s32 $0xFFFFE700  }
0xed: {  	_ =	swait.ge [sflag:s22], $0x1900  }
0xee: {  	[sflag:s22] =	ssyncset.done $0x0  }
0xef: {  	[sflag:s22] =	ssyncadd.s32 $0xFFFFE700  }
0xf0: {  	_ =	swait.ge [sflag:s22], $0x1900  }
0xf1: {  	[sflag:s22] =	ssyncset.done $0x0  }
0xf2: {  	[sflag:s22] =	ssyncadd.s32 $0xFFFFE700  }
0xf3: {  	_ =	swait.ge [sflag:s22], $0x1900  }
0xf4: {  	[sflag:s22] =	ssyncset.done $0x0  }
0xf5: {  	[sflag:s22] =	ssyncadd.s32 $0xFFFFE700  }
0xf6: {  	_ =	swait.ge [sflag:s22], $0x1900  }
0xf7: {  	[sflag:s22] =	ssyncset.done $0x0  }
0xf8: {  	s29 =	simm.s32 $0x18;
	s31 =	simm.s32 $0x1000;
	[sflag:s22] =	ssyncadd.s32 $0xFFFFE700  }
.LBB2_14:
0xf9: {  	s1 =	sshll.u32 s29, $0x1C  }
0xfa: {  	s1 =	sshra.s32 s1, $0x1F  }
0xfb: {  	s1 =	sand.u32 $0xE000, s1  }
0xfc: {  	s1 =	sadd.s32 s1, s31  }
0xfd: {  	v2 =	vmov s1;
	_ =	sdelay $0x3  }
0xfe: {  	s10 =	simm.s32 $0x0  }
0xff: {  	v0 =	vld.idx.msk [tilespmem:v2+s10+$0x30 ss:$0x1], $0xffff  }
0x100: {  	v3 =	vld.idx.msk [tilespmem:v2+s10+$0x0 ss:$0x1], $0xffff  }
0x101: {  	v1 =	vimm.f32 $0.0e+00;
	v4 =	vld.idx.msk [tilespmem:v2+s10+$0x10 ss:$0x1], $0xffff  }
0x102: {  	v6 =	vimm.f32 $0.0e+00;
	v7 =	vimm.f32 $0.0e+00;
	v8 =	vimm.f32 $0.0e+00;
	s1 =	simm.s32 $0x200;
	v5 =	vld.idx.msk [tilespmem:v2+s10+$0x20 ss:$0x1], $0xffff  }
.LBB2_15:
0x103: {  	p0 =	sne.s32 s1, $0x6200  }
.Ltmp6:
0x104: {  	s10 =	sshra.s32 s1, $0x2;
	s1 =	sadd.s32 $0x200, s1;
	(pc) =	sbr.rel @p0 .LBB2_15-.Ltmp6, $4  }
0x105: {  	v1 =	vadd.f32 v0, v1;
	v0 =	vld.idx.msk [tilespmem:v2+s10+$0x30 ss:$0x1], $0xffff  }
0x106: {  	v6 =	vadd.f32 v3, v6;
	v3 =	vld.idx.msk [tilespmem:v2+s10+$0x0 ss:$0x1], $0xffff  }
0x107: {  	v7 =	vadd.f32 v4, v7;
	v4 =	vld.idx.msk [tilespmem:v2+s10+$0x10 ss:$0x1], $0xffff  }
0x108: {  	v8 =	vadd.f32 v5, v8;
	v5 =	vld.idx.msk [tilespmem:v2+s10+$0x20 ss:$0x1], $0xffff  }
0x109: {  	_ = 	snop  }
0x10a: {  	v0 =	vadd.f32 v0, v1  }
0x10b: {  	s1 =	sshll.u32 s29, $0x7;
	s29 =	sadd.s32 $0x1, s29;
	v2 =	vadd.f32 v3, v6  }
0x10c: {  	p0 =	sne.s32 s29, $0x20;
	v60 =	vadd.f32 v4, v7;
	v0 =	vmul.f32 $1.999999960e-02, v0  }
.Ltmp7:
0x10d: {  	s1 =	sand.u32 $0x3FFFFF80, s1;
	v61 =	vadd.f32 v5, v8;
	v2 =	vmul.f32 $1.999999960e-02, v2;
	(pc) =	sbr.rel @p0 .LBB2_14-.Ltmp7, $4  }
0x10e: {  	v62 =	vmul.f32 $1.999999960e-02, v60;
	[tilespmem:s1+$0x1D030] =	vst v0  }
0x10f: {  	[tilespmem:s1+$0x1D000] =	vst v2;
	v63 =	vmul.f32 $1.999999960e-02, v61  }
0x110: {  	[tilespmem:s1+$0x1D010] =	vst v62  }
0x111: {  	s31 =	sadd.s32 $0x1C00, s31;
	[tilespmem:s1+$0x1D020] =	vst v63  }
0x112: {  	s26 =	sadd.s32 $0x1, s26  }
0x113: {  	p0 =	sne.s32 s26, s6  }
.Ltmp8:
0x114: {  	_ = 	snop;
	(pc) =	sbr.rel @p0 .LBB2_1-.Ltmp8, $4  }
0x115: {  	[hbm4b:s5+s3] =	stream.linear.scatter [tilespmem:s24], [sflag:$0x2], $0x1000, $0x38;
	[tilespmem:$0x1E000] =	vst v63  }
0x116: {  	_ =	swait.ge [sflag:s7], $0x1000  }
0x117: {  	[sflag:s7] =	ssyncset.done $0x0  }
0x118: {  	[sflag:s7] =	ssyncadd.s32 $0xFFFFF000  }
0x119: {  	_ =	sfence.sel $0x180000  }
0x11a: {  	[bflag:$0x0] =	sbarrier.arrive $0xFFFF  }
0x11b: {  	_ =	strace $0x90000047  }
0x11c: {  	s0 =	stileid.u32;
	[bflag:$0x2] =	sbarrier.arrive $0xFFFF  }
0x11d: {  	p0 =	sne.s32 s0, $0x0;
	s0 =	rddreg [dreg:$0x2]  }
0x11e: {  	s0 =	sadd.s32 @!p0 $0x100000, s0  }
0x11f: {  	[sflag:s0] =	ssyncadd.tile.s32 @!p0 $0x1;
	_ =	shalt  }
.Lfunc_end2:
_tile_overlayer_lowered:
.L_overlay_start_2:
0x120: {  	(tag) =	ssettag $0x2  }
0x121: {  	s0 =	rddreg [dreg:$0x0];
	s2 =	stileid.u32  }
0x122: {  	s1 =	rddreg [dreg:$0x1];
	p0 =	sne.s32 s2, $0x0  }
0x123: {  	s3 =	rddreg [dreg:$0x2];
	[bflag:$0x3] =	sbarrier.arrive $0xFFFF;
	s2 =	simm.s32 @!p0 $0x1C02  }
0x124: {  	[timem:s3], [sflag:s2] =	dma.local @!p0 [hbm:s0], s1  }
0x125: {  	s0 =	simm.s32 @!p0 $0x2  }
0x126: {  	_ =	swait.ge @!p0 [sflag:s0], s1  }
0x127: {  	s1 =	ssub.s32 @!p0 $0x0, s1;
	[sflag:s0] =	ssyncset.done @!p0 $0x0  }
0x128: {  	[sflag:s0] =	ssyncadd.s32 @!p0 s1  }
0x129: {  	[bflag:$0x3] =	sbarrier.arrive $0xFFFF  }
0x12a: {  	_ =	shalt  }

</sc_bundles>
